<compile_context>
chip_gen: v7x
topology: tpu7x:2x2x1
jax: 0.10.2.dev20260603
libtpu: 0.0.44.dev20260713+nightly
codegen_flags: <defaults>
</compile_context>

<pallas_src>
import functools

import jax
import jax.numpy as jnp
from jax import lax
from jax.experimental import pallas as pl
from jax.experimental.pallas import tpu as pltpu
from jax.experimental.pallas import tpu_sc as plsc

N_PTS = 32768
D_MODEL = 256
N_HEADS = 8
N_POINTS = 4

_HIGH = jax.lax.Precision.HIGHEST


def _dot(a, b, precision=_HIGH):
    return jax.lax.dot_general(
        a, b, (((1,), (0,)), ((), ())),
        precision=precision, preferred_element_type=jnp.float32)


def _vidx_body(c_ref, vidx_ref, rc_ref):
    n = c_ref.shape[1]
    c = c_ref[...]
    c0 = c[0:1, :]
    c1 = c[1:2, :]
    c2 = c[2:3, :]
    min0 = jnp.min(c0)
    min1 = jnp.min(c1)
    min2 = jnp.min(c2)
    rc0 = jnp.max(c0) - min0
    rc1 = jnp.max(c1) - min1
    rc2 = jnp.max(c2) - min2
    rv0 = (rc0 // 8 + 1).astype(jnp.float32)
    rv1 = (rc1 // 8 + 1).astype(jnp.float32)
    iv0 = (c0 - min0).astype(jnp.float32) * 0.125
    iv1 = (c1 - min1).astype(jnp.float32) * 0.125
    iv2 = (c2 - min2).astype(jnp.float32) * 0.125
    idxf = iv0 * rv1 * rv0 + iv1 * rv0 + iv2
    vidx = jnp.clip(idxf.astype(jnp.int32), 0, n - 1)
    vidx_ref[0:1, :] = vidx * 2
    vidx_ref[1:2, :] = vidx * 2 + 1
    rc_ref[0] = rc0
    rc_ref[1] = rc1
    rc_ref[2] = rc2


def _main_body(rc_ref, qf_ref, g_ref, Wso_ref, bso_ref, Waw_ref,
               baw_ref, Wvl_ref, Wvh_ref, bv_ref, Wo_ref, bo_ref, out_ref):
    f32 = jnp.float32
    H, P = N_HEADS, N_POINTS
    HP = H * P
    HP3 = HP * 3
    dh = D_MODEL // H
    qf = qf_ref[...]
    so = _dot(qf, Wso_ref[...]) + bso_ref[...]
    aw = _dot(qf, Waw_ref[...]) + baw_ref[...]
    rc0 = rc_ref[0].astype(f32)
    rc1 = rc_ref[1].astype(f32)
    rc2 = rc_ref[2].astype(f32)
    comp = jax.lax.broadcasted_iota(jnp.int32, (1, HP3), 1) % 3
    half = jnp.where(comp == 0, rc0, jnp.where(comp == 1, rc1, rc2)) * 0.5
    soi = (so * half).astype(jnp.int32)
    mc = ((soi >= 0) & (soi < 8)).astype(f32)
    j3 = jax.lax.broadcasted_iota(jnp.int32, (HP3, HP), 0)
    g3 = jax.lax.broadcasted_iota(jnp.int32, (HP3, HP), 1)
    G3 = (j3 // 3 == g3).astype(f32)
    maskf = (_dot(mc, G3) > 2.5).astype(f32)
    e = jnp.exp(aw)
    ia = jax.lax.broadcasted_iota(jnp.int32, (HP, HP), 0)
    ja = jax.lax.broadcasted_iota(jnp.int32, (HP, HP), 1)
    A4 = (ia // P == ja // P).astype(f32)
    S = _dot(e, A4)
    wm = maskf * e / S
    jr = jax.lax.broadcasted_iota(jnp.int32, (HP, D_MODEL), 0)
    cr = jax.lax.broadcasted_iota(jnp.int32, (HP, D_MODEL), 1)
    Rm = (cr // dh == jr // P).astype(f32)
    w_rep = _dot(wm, Rm)
    v = _dot(g_ref[0], Wvl_ref[...]) + _dot(g_ref[1], Wvh_ref[...])
    v = v + bv_ref[...]
    out_ref[...] = _dot(v * w_rep, Wo_ref[...]) + bo_ref[...]


def _sc_gather(vf2, idx_lo, idx_hi):
    n2, d2 = vf2.shape
    n = n2 // 2
    nw, nch, ch = idx_lo.shape
    bpw = nch * ch
    nops = 2 * nch
    NBUF = 4
    mesh = plsc.VectorSubcoreMesh(core_axis_name="c", subcore_axis_name="s")

    @functools.partial(
        pl.kernel, mesh=mesh,
        out_type=jax.ShapeDtypeStruct((2, n, d2), jnp.float32),
        scratch_types=(
            [pltpu.VMEM((ch,), jnp.int32) for _ in range(nops)]
            + [pltpu.VMEM((ch, d2), jnp.float32) for _ in range(NBUF)]
            + [pltpu.SemaphoreType.DMA for _ in range(NBUF)]
            + [pltpu.SemaphoreType.DMA]
        ),
    )
    def k(vf_hbm, ilo_hbm, ihi_hbm, o_hbm, *scr):
        idx_bufs = scr[:nops]
        bufs = scr[nops:nops + NBUF]
        sems = scr[nops + NBUF:nops + 2 * NBUF]
        isem = scr[nops + 2 * NBUF]
        wid = lax.axis_index("s") * 2 + lax.axis_index("c")
        base = wid * bpw

        icopies = []
        for ci in range(nch):
            icopies.append(
                pltpu.async_copy(ilo_hbm.at[wid, ci], idx_bufs[2 * ci], isem))
            icopies.append(
                pltpu.async_copy(ihi_hbm.at[wid, ci], idx_bufs[2 * ci + 1],
                                 isem))
        for cp in icopies:
            cp.wait()

        def src(i):
            return vf_hbm.at[idx_bufs[i]]

        def dst(i):
            ci = i // 2
            return o_hbm.at[i % 2, pl.ds(base + ci * ch, ch)]

        copies = [None] * NBUF
        for i in range(NBUF):
            copies[i] = pltpu.async_copy(src(i), bufs[i], sems[i])
        for i in range(nops):
            b = i % NBUF
            copies[b].wait()
            pltpu.sync_copy(bufs[b], dst(i))
            ni = i + NBUF
            if ni < nops:
                copies[b] = pltpu.async_copy(src(ni), bufs[b], sems[b])

    return k(vf2, idx_lo, idx_hi)


def kernel(query_feat, query_coords, value_feat, W_so, b_so, W_aw, b_aw,
           W_v, b_v, W_o, b_o):
    n, d = query_feat.shape
    coords_t = query_coords.astype(jnp.int32).T

    vidx2, rc = pl.pallas_call(
        _vidx_body,
        out_shape=(
            jax.ShapeDtypeStruct((2, n), jnp.int32),
            jax.ShapeDtypeStruct((3,), jnp.int32),
        ),
        in_specs=[pl.BlockSpec((3, n), lambda: (0, 0))],
        out_specs=(
            pl.BlockSpec((2, n), lambda: (0, 0)),
            pl.BlockSpec(memory_space=pltpu.SMEM),
        ),
    )(coords_t)

    nch = n // 32 // 128
    idx_lo = vidx2[0].reshape(32, nch, 128)
    idx_hi = vidx2[1].reshape(32, nch, 128)
    vf2 = value_feat.reshape(2 * n, d // 2)
    g2 = jnp.stack([jnp.take(vf2, vidx2[0], axis=0),
                    jnp.take(vf2, vidx2[1], axis=0)])

    BN = 2048
    grid = (n // BN,)
    full = lambda shape: pl.BlockSpec(shape, lambda i: (0, 0))
    out = pl.pallas_call(
        _main_body,
        grid=grid,
        in_specs=[
            pl.BlockSpec(memory_space=pltpu.SMEM),
            pl.BlockSpec((BN, d), lambda i: (i, 0)),
            pl.BlockSpec((2, BN, d // 2), lambda i: (0, i, 0)),
            full((d, N_HEADS * N_POINTS * 3)),
            full((1, N_HEADS * N_POINTS * 3)),
            full((d, N_HEADS * N_POINTS)),
            full((1, N_HEADS * N_POINTS)),
            full((d // 2, d)),
            full((d // 2, d)),
            full((1, d)),
            full((d, d)),
            full((1, d)),
        ],
        out_specs=pl.BlockSpec((BN, d), lambda i: (i, 0)),
        out_shape=jax.ShapeDtypeStruct((n, d), jnp.float32),
    )(rc, query_feat, g2, W_so, b_so.reshape(1, -1), W_aw,
      b_aw.reshape(1, -1), W_v[:d // 2], W_v[d // 2:], b_v.reshape(1, -1),
      W_o, b_o.reshape(1, -1))
    return out

# --- scband reference (transcript-rebuilt; emitter-appended) ---
"""Pipeline reference for scband-msdeform-attn-64613488001375 (READ-ONLY COPY).

The authoritative reference and input builder live on the scoring server;
editing this copy changes nothing except your own understanding.
"""

import jax, jax.numpy as jnp
import numpy as np

D_MODEL = 256
N_HEADS = 8
N_POINTS = 4
N_PTS = 32768
COORD_MAX = 512


def setup_inputs(seed: int = 0) -> dict:
    key = jax.random.key(seed)
    ks = jax.random.split(key, 12)
    d, H, P, N = D_MODEL, N_HEADS, N_POINTS, N_PTS
    s = 1.0 / np.sqrt(d)
    inp = {}
    inp['query_feat'] = jax.random.normal(ks[0], (N, d), dtype=jnp.float32)
    inp['query_coords'] = jax.random.randint(ks[1], (N, 3), 0, COORD_MAX).astype(jnp.int32)
    inp['value_feat'] = jax.random.normal(ks[2], (N, d), dtype=jnp.float32)
    inp['W_so'] = jax.random.normal(ks[3], (d, H * P * 3), dtype=jnp.float32) * s
    inp['b_so'] = jnp.zeros((H * P * 3,), dtype=jnp.float32)
    inp['W_aw'] = jax.random.normal(ks[4], (d, H * P), dtype=jnp.float32) * s
    inp['b_aw'] = jnp.zeros((H * P,), dtype=jnp.float32)
    inp['W_v'] = jax.random.normal(ks[5], (d, d), dtype=jnp.float32) * s
    inp['b_v'] = jnp.zeros((d,), dtype=jnp.float32)
    inp['W_o'] = jax.random.normal(ks[6], (d, d), dtype=jnp.float32) * s
    inp['b_o'] = jnp.zeros((d,), dtype=jnp.float32)
    return inp


def reference(query_feat, query_coords, value_feat, W_so, b_so, W_aw, b_aw, W_v, b_v, W_o, b_o):
    H, P = N_HEADS, N_POINTS
    Lq, d = query_feat.shape
    Lin = value_feat.shape[0]
    dh = d // H
    # reference points are the integer 3D coordinates of the sparse query tensor
    ref = query_coords.astype(jnp.int32)
    min_c = jnp.min(ref, axis=0)
    max_c = jnp.max(ref, axis=0)
    range_coord = max_c - min_c
    scale_factor = 2.0
    range_voxel = range_coord // 8 + 1
    # value projection
    value = (value_feat @ W_v + b_v).reshape(Lin, H, dh)
    # sampling offsets (cast to int as in original: .int() truncates toward zero)
    so = (query_feat @ W_so + b_so).reshape(Lq, H, P, 3)
    so = (so * range_coord.astype(jnp.float32) / scale_factor).astype(jnp.int32)
    sampling_locations = ref[:, None, None, :] + (so // 8) * 8
    # attention weights, softmax over points
    aw = (query_feat @ W_aw + b_aw).reshape(Lq, H, P)
    aw = jax.nn.softmax(aw, axis=-1)
    # voxel indices
    indices = (sampling_locations - min_c).astype(jnp.float32) / 8.0
    indices_value = (ref - min_c).astype(jnp.float32) / 8.0
    mask = jnp.all(indices == indices_value[:, None, None, :], axis=-1)  # (Lq, H, P)
    rv0 = range_voxel[0].astype(jnp.float32)
    rv1 = range_voxel[1].astype(jnp.float32)
    index = indices[..., 0] * rv1 * rv0 + indices[..., 1] * rv0 + indices[..., 2]
    safe_index = jnp.where(mask, index.astype(jnp.int32), 0)
    safe_index = jnp.clip(safe_index, 0, Lin - 1)
    # per-head gather of value features at sampled voxels
    head_ids = jnp.broadcast_to(jnp.arange(H)[None, :, None], safe_index.shape)
    features = value[safe_index, head_ids]  # (Lq, H, P, dh)
    features = jnp.where(mask[..., None], features, 0.0)
    # weighted sum over sampling points
    out = jnp.sum(features * aw[..., None], axis=2)  # (Lq, H, dh)
    out = out.reshape(Lq, d)
    out = out @ W_o + b_o
    return out

if __name__ == "__main__":
    import jax
    _d = setup_inputs()
    print(jax.jit(kernel)(*tuple(_d.values())))

</pallas_src>

<mosaic_0001>
module attributes {stable_mosaic.version = 14 : i64} {
  func.func @_vidx_body(%arg0: memref<3x32768xi32, #tpu.memory_space<vmem>>, %arg1: memref<2x32768xi32, #tpu.memory_space<vmem>>, %arg2: memref<3xi32, #tpu.memory_space<smem>>) attributes {dimension_semantics = [], scalar_prefetch = 0 : i64, scratch_operands = 0 : i64, tpu.core_type = #tpu.core_type<tc>} {
    %get3A = arith.constant 0 : index
    %get3A_0 = arith.constant 0 : index
    %get3A_1 = vector.load %arg0[%get3A, %get3A_0] : memref<3x32768xi32, #tpu.memory_space<vmem>>, vector<3x32768xi32>
    %slice3A = vector.extract_strided_slice %get3A_1 {offsets = [0, 0], sizes = [1, 32768], strides = [1, 1]} : vector<3x32768xi32> to vector<1x32768xi32>
    %slice3A_2 = vector.extract_strided_slice %get3A_1 {offsets = [1, 0], sizes = [1, 32768], strides = [1, 1]} : vector<3x32768xi32> to vector<1x32768xi32>
    %slice3A_3 = vector.extract_strided_slice %get3A_1 {offsets = [2, 0], sizes = [1, 32768], strides = [1, 1]} : vector<3x32768xi32> to vector<1x32768xi32>
    %reduce_min3A = vector.shape_cast %slice3A : vector<1x32768xi32> to vector<1x1x32768xi32>
    %reduce_min3A_4 = arith.constant dense<2147483647> : vector<1xi32>
    %reduce_min3A_5 = vector.multi_reduction <minsi>, %reduce_min3A, %reduce_min3A_4 [1, 2] : vector<1x1x32768xi32> to vector<1xi32>
    %reduce_min3A_6 = vector.shape_cast %reduce_min3A_5 : vector<1xi32> to vector<1x1x1xi32>
    %reduce_min3A_7 = vector.extract %reduce_min3A_6[0, 0, 0] : i32 from vector<1x1x1xi32>
    %reduce_min3A_8 = vector.shape_cast %slice3A_2 : vector<1x32768xi32> to vector<1x1x32768xi32>
    %reduce_min3A_9 = arith.constant dense<2147483647> : vector<1xi32>
    %reduce_min3A_10 = vector.multi_reduction <minsi>, %reduce_min3A_8, %reduce_min3A_9 [1, 2] : vector<1x1x32768xi32> to vector<1xi32>
    %reduce_min3A_11 = vector.shape_cast %reduce_min3A_10 : vector<1xi32> to vector<1x1x1xi32>
    %reduce_min3A_12 = vector.extract %reduce_min3A_11[0, 0, 0] : i32 from vector<1x1x1xi32>
    %reduce_min3A_13 = vector.shape_cast %slice3A_3 : vector<1x32768xi32> to vector<1x1x32768xi32>
    %reduce_min3A_14 = arith.constant dense<2147483647> : vector<1xi32>
    %reduce_min3A_15 = vector.multi_reduction <minsi>, %reduce_min3A_13, %reduce_min3A_14 [1, 2] : vector<1x1x32768xi32> to vector<1xi32>
    %reduce_min3A_16 = vector.shape_cast %reduce_min3A_15 : vector<1xi32> to vector<1x1x1xi32>
    %reduce_min3A_17 = vector.extract %reduce_min3A_16[0, 0, 0] : i32 from vector<1x1x1xi32>
    %reduce_max3A = vector.shape_cast %slice3A : vector<1x32768xi32> to vector<1x1x32768xi32>
    %reduce_max3A_18 = arith.constant dense<-2147483648> : vector<1xi32>
    %reduce_max3A_19 = vector.multi_reduction <maxsi>, %reduce_max3A, %reduce_max3A_18 [1, 2] : vector<1x1x32768xi32> to vector<1xi32>
    %reduce_max3A_20 = vector.shape_cast %reduce_max3A_19 : vector<1xi32> to vector<1x1x1xi32>
    %reduce_max3A_21 = vector.extract %reduce_max3A_20[0, 0, 0] : i32 from vector<1x1x1xi32>
    %sub3A = arith.subi %reduce_max3A_21, %reduce_min3A_7 : i32
    %reduce_max3A_22 = vector.shape_cast %slice3A_2 : vector<1x32768xi32> to vector<1x1x32768xi32>
    %reduce_max3A_23 = arith.constant dense<-2147483648> : vector<1xi32>
    %reduce_max3A_24 = vector.multi_reduction <maxsi>, %reduce_max3A_22, %reduce_max3A_23 [1, 2] : vector<1x1x32768xi32> to vector<1xi32>
    %reduce_max3A_25 = vector.shape_cast %reduce_max3A_24 : vector<1xi32> to vector<1x1x1xi32>
    %reduce_max3A_26 = vector.extract %reduce_max3A_25[0, 0, 0] : i32 from vector<1x1x1xi32>
    %sub3A_27 = arith.subi %reduce_max3A_26, %reduce_min3A_12 : i32
    %reduce_max3A_28 = vector.shape_cast %slice3A_3 : vector<1x32768xi32> to vector<1x1x32768xi32>
    %reduce_max3A_29 = arith.constant dense<-2147483648> : vector<1xi32>
    %reduce_max3A_30 = vector.multi_reduction <maxsi>, %reduce_max3A_28, %reduce_max3A_29 [1, 2] : vector<1x1x32768xi32> to vector<1xi32>
    %reduce_max3A_31 = vector.shape_cast %reduce_max3A_30 : vector<1xi32> to vector<1x1x1xi32>
    %reduce_max3A_32 = vector.extract %reduce_max3A_31[0, 0, 0] : i32 from vector<1x1x1xi32>
    %sub3A_33 = arith.subi %reduce_max3A_32, %reduce_min3A_17 : i32
    %jit3A = arith.constant 8 : i32
    %div3A = arith.divsi %sub3A, %jit3A : i32
    %sign3A = arith.constant 0 : i32
    %sign3A_34 = arith.cmpi sgt, %sub3A, %sign3A : i32
    %sign3A_35 = arith.extui %sign3A_34 : i1 to i32
    %sign3A_36 = arith.constant 0 : i32
    %sign3A_37 = arith.cmpi slt, %sub3A, %sign3A_36 : i32
    %sign3A_38 = arith.extui %sign3A_37 : i1 to i32
    %sign3A_39 = arith.subi %sign3A_35, %sign3A_38 : i32
    %sign3A_40 = arith.constant 0 : i32
    %sign3A_41 = arith.cmpi sgt, %jit3A, %sign3A_40 : i32
    %sign3A_42 = arith.extui %sign3A_41 : i1 to i32
    %sign3A_43 = arith.constant 0 : i32
    %sign3A_44 = arith.cmpi slt, %jit3A, %sign3A_43 : i32
    %sign3A_45 = arith.extui %sign3A_44 : i1 to i32
    %sign3A_46 = arith.subi %sign3A_42, %sign3A_45 : i32
    %ne3A = arith.cmpi ne, %sign3A_39, %sign3A_46 : i32
    %rem3A = arith.remsi %sub3A, %jit3A : i32
    %ne3A_47 = arith.constant 0 : i32
    %ne3A_48 = arith.cmpi ne, %rem3A, %ne3A_47 : i32
    %and3A = arith.andi %ne3A, %ne3A_48 : i1
    %sub3A_49 = arith.constant 1 : i32
    %sub3A_50 = arith.subi %div3A, %sub3A_49 : i32
    %select_n3A = arith.select %and3A, %sub3A_50, %div3A : i32
    %add3A = arith.constant 1 : i32
    %add3A_51 = arith.addi %select_n3A, %add3A : i32
    %convert_element_type3A = arith.sitofp %add3A_51 : i32 to f32
    %jit3A_52 = arith.constant 8 : i32
    %div3A_53 = arith.divsi %sub3A_27, %jit3A_52 : i32
    %sign3A_54 = arith.constant 0 : i32
    %sign3A_55 = arith.cmpi sgt, %sub3A_27, %sign3A_54 : i32
    %sign3A_56 = arith.extui %sign3A_55 : i1 to i32
    %sign3A_57 = arith.constant 0 : i32
    %sign3A_58 = arith.cmpi slt, %sub3A_27, %sign3A_57 : i32
    %sign3A_59 = arith.extui %sign3A_58 : i1 to i32
    %sign3A_60 = arith.subi %sign3A_56, %sign3A_59 : i32
    %sign3A_61 = arith.constant 0 : i32
    %sign3A_62 = arith.cmpi sgt, %jit3A_52, %sign3A_61 : i32
    %sign3A_63 = arith.extui %sign3A_62 : i1 to i32
    %sign3A_64 = arith.constant 0 : i32
    %sign3A_65 = arith.cmpi slt, %jit3A_52, %sign3A_64 : i32
    %sign3A_66 = arith.extui %sign3A_65 : i1 to i32
    %sign3A_67 = arith.subi %sign3A_63, %sign3A_66 : i32
    %ne3A_68 = arith.cmpi ne, %sign3A_60, %sign3A_67 : i32
    %rem3A_69 = arith.remsi %sub3A_27, %jit3A_52 : i32
    %ne3A_70 = arith.constant 0 : i32
    %ne3A_71 = arith.cmpi ne, %rem3A_69, %ne3A_70 : i32
    %and3A_72 = arith.andi %ne3A_68, %ne3A_71 : i1
    %sub3A_73 = arith.constant 1 : i32
    %sub3A_74 = arith.subi %div3A_53, %sub3A_73 : i32
    %select_n3A_75 = arith.select %and3A_72, %sub3A_74, %div3A_53 : i32
    %add3A_76 = arith.constant 1 : i32
    %add3A_77 = arith.addi %select_n3A_75, %add3A_76 : i32
    %convert_element_type3A_78 = arith.sitofp %add3A_77 : i32 to f32
    %sub3A_79 = vector.broadcast %reduce_min3A_7 : i32 to vector<1x32768xi32>
    %sub3A_80 = arith.subi %slice3A, %sub3A_79 : vector<1x32768xi32>
    %convert_element_type3A_81 = arith.sitofp %sub3A_80 : vector<1x32768xi32> to vector<1x32768xf32>
    %mul3A = arith.constant 1.250000e-01 : f32
    %mul3A_82 = vector.broadcast %mul3A : f32 to vector<1x32768xf32>
    %mul3A_83 = arith.mulf %convert_element_type3A_81, %mul3A_82 : vector<1x32768xf32>
    %sub3A_84 = vector.broadcast %reduce_min3A_12 : i32 to vector<1x32768xi32>
    %sub3A_85 = arith.subi %slice3A_2, %sub3A_84 : vector<1x32768xi32>
    %convert_element_type3A_86 = arith.sitofp %sub3A_85 : vector<1x32768xi32> to vector<1x32768xf32>
    %mul3A_87 = arith.constant 1.250000e-01 : f32
    %mul3A_88 = vector.broadcast %mul3A_87 : f32 to vector<1x32768xf32>
    %mul3A_89 = arith.mulf %convert_element_type3A_86, %mul3A_88 : vector<1x32768xf32>
    %sub3A_90 = vector.broadcast %reduce_min3A_17 : i32 to vector<1x32768xi32>
    %sub3A_91 = arith.subi %slice3A_3, %sub3A_90 : vector<1x32768xi32>
    %convert_element_type3A_92 = arith.sitofp %sub3A_91 : vector<1x32768xi32> to vector<1x32768xf32>
    %mul3A_93 = arith.constant 1.250000e-01 : f32
    %mul3A_94 = vector.broadcast %mul3A_93 : f32 to vector<1x32768xf32>
    %mul3A_95 = arith.mulf %convert_element_type3A_92, %mul3A_94 : vector<1x32768xf32>
    %mul3A_96 = vector.broadcast %convert_element_type3A_78 : f32 to vector<1x32768xf32>
    %mul3A_97 = arith.mulf %mul3A_83, %mul3A_96 : vector<1x32768xf32>
    %mul3A_98 = vector.broadcast %convert_element_type3A : f32 to vector<1x32768xf32>
    %mul3A_99 = arith.mulf %mul3A_97, %mul3A_98 : vector<1x32768xf32>
    %mul3A_100 = vector.broadcast %convert_element_type3A : f32 to vector<1x32768xf32>
    %mul3A_101 = arith.mulf %mul3A_89, %mul3A_100 : vector<1x32768xf32>
    %add3A_102 = arith.addf %mul3A_99, %mul3A_101 : vector<1x32768xf32>
    %add3A_103 = arith.addf %add3A_102, %mul3A_95 : vector<1x32768xf32>
    %convert_element_type3A_104 = arith.fptosi %add3A_103 : vector<1x32768xf32> to vector<1x32768xi32>
    %jit3A_105 = arith.constant 0 : i32
    %jit3A_106 = arith.constant 32767 : i32
    %max3A = vector.broadcast %jit3A_105 : i32 to vector<1x32768xi32>
    %max3A_107 = arith.maxsi %max3A, %convert_element_type3A_104 : vector<1x32768xi32>
    %min3A = vector.broadcast %jit3A_106 : i32 to vector<1x32768xi32>
    %min3A_108 = arith.minsi %min3A, %max3A_107 : vector<1x32768xi32>
    %mul3A_109 = arith.constant 2 : i32
    %mul3A_110 = vector.broadcast %mul3A_109 : i32 to vector<1x32768xi32>
    %mul3A_111 = arith.muli %min3A_108, %mul3A_110 : vector<1x32768xi32>
    %swap3A = arith.constant 0 : index
    %swap3A_112 = arith.constant 0 : index
    %swap3A_113 = vector.load %arg1[%swap3A, %swap3A_112] : memref<2x32768xi32, #tpu.memory_space<vmem>>, vector<1x32768xi32>
    tpu.vector_store %arg1[%swap3A, %swap3A_112], %mul3A_111 {strides = array<i32>} : memref<2x32768xi32, #tpu.memory_space<vmem>>, vector<1x32768xi32>,
    %mul3A_114 = arith.constant 2 : i32
    %mul3A_115 = vector.broadcast %mul3A_114 : i32 to vector<1x32768xi32>
    %mul3A_116 = arith.muli %min3A_108, %mul3A_115 : vector<1x32768xi32>
    %add3A_117 = arith.constant 1 : i32
    %add3A_118 = vector.broadcast %add3A_117 : i32 to vector<1x32768xi32>
    %add3A_119 = arith.addi %mul3A_116, %add3A_118 : vector<1x32768xi32>
    %swap3A_120 = arith.constant 1 : index
    %swap3A_121 = arith.constant 0 : index
    %swap3A_122 = vector.load %arg1[%swap3A_120, %swap3A_121] : memref<2x32768xi32, #tpu.memory_space<vmem>>, vector<1x32768xi32>
    tpu.vector_store %arg1[%swap3A_120, %swap3A_121], %add3A_119 {strides = array<i32>} : memref<2x32768xi32, #tpu.memory_space<vmem>>, vector<1x32768xi32>,
    %swap3A_123 = arith.constant 0 : index
    %swap3A_124 = memref.load %arg2[%swap3A_123] : memref<3xi32, #tpu.memory_space<smem>>
    memref.store %sub3A, %arg2[%swap3A_123] : memref<3xi32, #tpu.memory_space<smem>>
    %swap3A_125 = arith.constant 1 : index
    %swap3A_126 = memref.load %arg2[%swap3A_125] : memref<3xi32, #tpu.memory_space<smem>>
    memref.store %sub3A_27, %arg2[%swap3A_125] : memref<3xi32, #tpu.memory_space<smem>>
    %swap3A_127 = arith.constant 2 : index
    %swap3A_128 = memref.load %arg2[%swap3A_127] : memref<3xi32, #tpu.memory_space<smem>>
    memref.store %sub3A_33, %arg2[%swap3A_127] : memref<3xi32, #tpu.memory_space<smem>>
    return
  }
}

module attributes {stable_mosaic.version = 14 : i64} {
  func.func @_main_body(%arg0: i32, %arg1: memref<3xi32, #tpu.memory_space<smem>>, %arg2: memref<2048x256xf32, #tpu.memory_space<vmem>>, %arg3: memref<2x2048x128xf32, #tpu.memory_space<vmem>>, %arg4: memref<256x96xf32, #tpu.memory_space<vmem>>, %arg5: memref<1x96xf32, #tpu.memory_space<vmem>>, %arg6: memref<256x32xf32, #tpu.memory_space<vmem>>, %arg7: memref<1x32xf32, #tpu.memory_space<vmem>>, %arg8: memref<128x256xf32, #tpu.memory_space<vmem>>, %arg9: memref<128x256xf32, #tpu.memory_space<vmem>>, %arg10: memref<1x256xf32, #tpu.memory_space<vmem>>, %arg11: memref<256x256xf32, #tpu.memory_space<vmem>>, %arg12: memref<1x256xf32, #tpu.memory_space<vmem>>, %arg13: memref<2048x256xf32, #tpu.memory_space<vmem>>) attributes {dimension_semantics = [#tpu.dimension_semantics<arbitrary>], iteration_bounds = array<i64: 16>, scalar_prefetch = 0 : i64, scratch_operands = 0 : i64, tpu.core_type = #tpu.core_type<tc>, window_params = [{transform_indices = @transform_0, window_bounds = array<i64: 3>}, {transform_indices = @transform_1, window_bounds = array<i64: 2048, 256>}, {transform_indices = @transform_2, window_bounds = array<i64: 2, 2048, 128>}, {pipeline_mode = #tpu.pipeline_mode<synchronous>, transform_indices = @transform_3, window_bounds = array<i64: 256, 96>}, {pipeline_mode = #tpu.pipeline_mode<synchronous>, transform_indices = @transform_4, window_bounds = array<i64: 1, 96>}, {pipeline_mode = #tpu.pipeline_mode<synchronous>, transform_indices = @transform_5, window_bounds = array<i64: 256, 32>}, {pipeline_mode = #tpu.pipeline_mode<synchronous>, transform_indices = @transform_6, window_bounds = array<i64: 1, 32>}, {pipeline_mode = #tpu.pipeline_mode<synchronous>, transform_indices = @transform_7, window_bounds = array<i64: 128, 256>}, {pipeline_mode = #tpu.pipeline_mode<synchronous>, transform_indices = @transform_8, window_bounds = array<i64: 128, 256>}, {pipeline_mode = #tpu.pipeline_mode<synchronous>, transform_indices = @transform_9, window_bounds = array<i64: 1, 256>}, {pipeline_mode = #tpu.pipeline_mode<synchronous>, transform_indices = @transform_10, window_bounds = array<i64: 256, 256>}, {pipeline_mode = #tpu.pipeline_mode<synchronous>, transform_indices = @transform_11, window_bounds = array<i64: 1, 256>}, {transform_indices = @transform_12, window_bounds = array<i64: 2048, 256>}]} {
    %get3A = arith.constant 0 : index
    %get3A_0 = arith.constant 0 : index
    %get3A_1 = vector.load %arg2[%get3A, %get3A_0] : memref<2048x256xf32, #tpu.memory_space<vmem>>, vector<2048x256xf32>
    %get3A_2 = arith.constant 0 : index
    %get3A_3 = arith.constant 0 : index
    %get3A_4 = vector.load %arg4[%get3A_2, %get3A_3] : memref<256x96xf32, #tpu.memory_space<vmem>>, vector<256x96xf32>
    %dot_general3A = arith.constant dense<0.000000e+00> : vector<2048x96xf32>
    %dot_general3A_5 = tpu.matmul %get3A_1, %get3A_4, %dot_general3A {dimension_numbers = #tpu.dot_dimension_numbers<[1], [0], [0], [1], [0, 0, 1, 1], [], []>, precision = #tpu.contract_precision<fp32>, transpose_lhs_hint = false} : vector<2048x256xf32>, vector<256x96xf32>, vector<2048x96xf32> -> vector<2048x96xf32>
    %get3A_6 = arith.constant 0 : index
    %get3A_7 = arith.constant 0 : index
    %get3A_8 = vector.load %arg5[%get3A_6, %get3A_7] : memref<1x96xf32, #tpu.memory_space<vmem>>, vector<1x96xf32>
    %add3A = vector.broadcast %get3A_8 : vector<1x96xf32> to vector<2048x96xf32>
    %add3A_9 = arith.addf %dot_general3A_5, %add3A : vector<2048x96xf32>
    %get3A_10 = arith.constant 0 : index
    %get3A_11 = arith.constant 0 : index
    %get3A_12 = vector.load %arg6[%get3A_10, %get3A_11] : memref<256x32xf32, #tpu.memory_space<vmem>>, vector<256x32xf32>
    %dot_general3A_13 = arith.constant dense<0.000000e+00> : vector<2048x32xf32>
    %dot_general3A_14 = tpu.matmul %get3A_1, %get3A_12, %dot_general3A_13 {dimension_numbers = #tpu.dot_dimension_numbers<[1], [0], [0], [1], [0, 0, 1, 1], [], []>, precision = #tpu.contract_precision<fp32>, transpose_lhs_hint = false} : vector<2048x256xf32>, vector<256x32xf32>, vector<2048x32xf32> -> vector<2048x32xf32>
    %get3A_15 = arith.constant 0 : index
    %get3A_16 = arith.constant 0 : index
    %get3A_17 = vector.load %arg7[%get3A_15, %get3A_16] : memref<1x32xf32, #tpu.memory_space<vmem>>, vector<1x32xf32>
    %add3A_18 = vector.broadcast %get3A_17 : vector<1x32xf32> to vector<2048x32xf32>
    %add3A_19 = arith.addf %dot_general3A_14, %add3A_18 : vector<2048x32xf32>
    %get3A_20 = arith.constant 0 : index
    %get3A_21 = memref.load %arg1[%get3A_20] : memref<3xi32, #tpu.memory_space<smem>>
    %convert_element_type3A = arith.sitofp %get3A_21 : i32 to f32
    %get3A_22 = arith.constant 1 : index
    %get3A_23 = memref.load %arg1[%get3A_22] : memref<3xi32, #tpu.memory_space<smem>>
    %convert_element_type3A_24 = arith.sitofp %get3A_23 : i32 to f32
    %get3A_25 = arith.constant 2 : index
    %get3A_26 = memref.load %arg1[%get3A_25] : memref<3xi32, #tpu.memory_space<smem>>
    %convert_element_type3A_27 = arith.sitofp %get3A_26 : i32 to f32
    %iota3A = tpu.iota {dimensions = array<i32: 1>} : vector<1x96xi32>
    %jit3A = arith.constant 3 : i32
    %eq3A = arith.constant 0 : i32
    %eq3A_28 = arith.cmpi eq, %jit3A, %eq3A : i32
    %jit3A_29 = arith.constant 1 : i32
    %select_n3A = arith.select %eq3A_28, %jit3A_29, %jit3A : i32
    %rem3A = vector.broadcast %select_n3A : i32 to vector<1x96xi32>
    %rem3A_30 = arith.remsi %iota3A, %rem3A : vector<1x96xi32>
    %ne3A = arith.constant 0 : i32
    %ne3A_31 = vector.broadcast %ne3A : i32 to vector<1x96xi32>
    %ne3A_32 = arith.cmpi ne, %rem3A_30, %ne3A_31 : vector<1x96xi32>
    %lt3A = arith.constant 0 : i32
    %lt3A_33 = vector.broadcast %lt3A : i32 to vector<1x96xi32>
    %lt3A_34 = arith.cmpi slt, %rem3A_30, %lt3A_33 : vector<1x96xi32>
    %lt3A_35 = arith.constant 0 : i32
    %lt3A_36 = arith.cmpi slt, %select_n3A, %lt3A_35 : i32
    %ne3A_37 = vector.broadcast %lt3A_36 : i1 to vector<1x96xi1>
    %ne3A_38 = vector.broadcast %ne3A_37 : vector<1x96xi1> to vector<1x96xi1>
    %ne3A_39 = arith.xori %lt3A_34, %ne3A_38 : vector<1x96xi1>
    %and3A = arith.andi %ne3A_39, %ne3A_32 : vector<1x96xi1>
    %add3A_40 = vector.broadcast %select_n3A : i32 to vector<1x96xi32>
    %add3A_41 = arith.addi %rem3A_30, %add3A_40 : vector<1x96xi32>
    %select_n3A_42 = arith.select %and3A, %add3A_41, %rem3A_30 : vector<1x96xi1>, vector<1x96xi32>
    %eq3A_43 = arith.constant 0 : i32
    %eq3A_44 = vector.broadcast %eq3A_43 : i32 to vector<1x96xi32>
    %eq3A_45 = arith.cmpi eq, %select_n3A_42, %eq3A_44 : vector<1x96xi32>
    %eq3A_46 = arith.constant 1 : i32
    %eq3A_47 = vector.broadcast %eq3A_46 : i32 to vector<1x96xi32>
    %eq3A_48 = arith.cmpi eq, %select_n3A_42, %eq3A_47 : vector<1x96xi32>
    %broadcast_in_dim3A = vector.broadcast %convert_element_type3A_24 : f32 to vector<1x96xf32>
    %broadcast_in_dim3A_49 = vector.broadcast %convert_element_type3A_27 : f32 to vector<1x96xf32>
    %select_n3A_50 = arith.select %eq3A_48, %broadcast_in_dim3A, %broadcast_in_dim3A_49 : vector<1x96xi1>, vector<1x96xf32>
    %broadcast_in_dim3A_51 = vector.broadcast %convert_element_type3A : f32 to vector<1x96xf32>
    %select_n3A_52 = arith.select %eq3A_45, %broadcast_in_dim3A_51, %select_n3A_50 : vector<1x96xi1>, vector<1x96xf32>
    %mul3A = arith.constant 5.000000e-01 : f32
    %mul3A_53 = vector.broadcast %mul3A : f32 to vector<1x96xf32>
    %mul3A_54 = arith.mulf %select_n3A_52, %mul3A_53 : vector<1x96xf32>
    %mul3A_55 = vector.broadcast %mul3A_54 : vector<1x96xf32> to vector<2048x96xf32>
    %mul3A_56 = arith.mulf %add3A_9, %mul3A_55 : vector<2048x96xf32>
    %convert_element_type3A_57 = arith.fptosi %mul3A_56 : vector<2048x96xf32> to vector<2048x96xi32>
    %ge3A = arith.constant 0 : i32
    %ge3A_58 = vector.broadcast %ge3A : i32 to vector<2048x96xi32>
    %ge3A_59 = arith.cmpi sge, %convert_element_type3A_57, %ge3A_58 : vector<2048x96xi32>
    %lt3A_60 = arith.constant 8 : i32
    %lt3A_61 = vector.broadcast %lt3A_60 : i32 to vector<2048x96xi32>
    %lt3A_62 = arith.cmpi slt, %convert_element_type3A_57, %lt3A_61 : vector<2048x96xi32>
    %and3A_63 = arith.andi %ge3A_59, %lt3A_62 : vector<2048x96xi1>
    %convert_element_type3A_64 = arith.extui %and3A_63 : vector<2048x96xi1> to vector<2048x96xi32>
    %convert_element_type3A_65 = arith.sitofp %convert_element_type3A_64 : vector<2048x96xi32> to vector<2048x96xf32>
    %iota3A_66 = tpu.iota {dimensions = array<i32: 0>} : vector<96x32xi32>
    %iota3A_67 = tpu.iota {dimensions = array<i32: 1>} : vector<96x32xi32>
    %jit3A_68 = arith.constant 3 : i32
    %div3A = vector.broadcast %jit3A_68 : i32 to vector<96x32xi32>
    %div3A_69 = arith.divsi %iota3A_66, %div3A : vector<96x32xi32>
    %sign3A = arith.constant 0 : i32
    %sign3A_70 = vector.broadcast %sign3A : i32 to vector<96x32xi32>
    %sign3A_71 = arith.cmpi sgt, %iota3A_66, %sign3A_70 : vector<96x32xi32>
    %sign3A_72 = arith.extui %sign3A_71 : vector<96x32xi1> to vector<96x32xi32>
    %sign3A_73 = arith.constant 0 : i32
    %sign3A_74 = vector.broadcast %sign3A_73 : i32 to vector<96x32xi32>
    %sign3A_75 = arith.cmpi slt, %iota3A_66, %sign3A_74 : vector<96x32xi32>
    %sign3A_76 = arith.extui %sign3A_75 : vector<96x32xi1> to vector<96x32xi32>
    %sign3A_77 = arith.subi %sign3A_72, %sign3A_76 : vector<96x32xi32>
    %sign3A_78 = arith.constant 0 : i32
    %sign3A_79 = arith.cmpi sgt, %jit3A_68, %sign3A_78 : i32
    %sign3A_80 = arith.extui %sign3A_79 : i1 to i32
    %sign3A_81 = arith.constant 0 : i32
    %sign3A_82 = arith.cmpi slt, %jit3A_68, %sign3A_81 : i32
    %sign3A_83 = arith.extui %sign3A_82 : i1 to i32
    %sign3A_84 = arith.subi %sign3A_80, %sign3A_83 : i32
    %ne3A_85 = vector.broadcast %sign3A_84 : i32 to vector<96x32xi32>
    %ne3A_86 = arith.cmpi ne, %sign3A_77, %ne3A_85 : vector<96x32xi32>
    %rem3A_87 = vector.broadcast %jit3A_68 : i32 to vector<96x32xi32>
    %rem3A_88 = arith.remsi %iota3A_66, %rem3A_87 : vector<96x32xi32>
    %ne3A_89 = arith.constant 0 : i32
    %ne3A_90 = vector.broadcast %ne3A_89 : i32 to vector<96x32xi32>
    %ne3A_91 = arith.cmpi ne, %rem3A_88, %ne3A_90 : vector<96x32xi32>
    %and3A_92 = arith.andi %ne3A_86, %ne3A_91 : vector<96x32xi1>
    %sub3A = arith.constant 1 : i32
    %sub3A_93 = vector.broadcast %sub3A : i32 to vector<96x32xi32>
    %sub3A_94 = arith.subi %div3A_69, %sub3A_93 : vector<96x32xi32>
    %select_n3A_95 = arith.select %and3A_92, %sub3A_94, %div3A_69 : vector<96x32xi1>, vector<96x32xi32>
    %eq3A_96 = arith.cmpi eq, %select_n3A_95, %iota3A_67 : vector<96x32xi32>
    %convert_element_type3A_97 = arith.extui %eq3A_96 : vector<96x32xi1> to vector<96x32xi32>
    %convert_element_type3A_98 = arith.sitofp %convert_element_type3A_97 : vector<96x32xi32> to vector<96x32xf32>
    %dot_general3A_99 = arith.constant dense<0.000000e+00> : vector<2048x32xf32>
    %dot_general3A_100 = tpu.matmul %convert_element_type3A_65, %convert_element_type3A_98, %dot_general3A_99 {dimension_numbers = #tpu.dot_dimension_numbers<[1], [0], [0], [1], [0, 0, 1, 1], [], []>, precision = #tpu.contract_precision<fp32>, transpose_lhs_hint = false} : vector<2048x96xf32>, vector<96x32xf32>, vector<2048x32xf32> -> vector<2048x32xf32>
    %gt3A = arith.constant 2.500000e+00 : f32
    %gt3A_101 = vector.broadcast %gt3A : f32 to vector<2048x32xf32>
    %gt3A_102 = arith.cmpf ogt, %dot_general3A_100, %gt3A_101 : vector<2048x32xf32>
    %convert_element_type3A_103 = arith.extui %gt3A_102 : vector<2048x32xi1> to vector<2048x32xi32>
    %convert_element_type3A_104 = arith.sitofp %convert_element_type3A_103 : vector<2048x32xi32> to vector<2048x32xf32>
    %exp3A = math.exp %add3A_19 : vector<2048x32xf32>
    %iota3A_105 = tpu.iota {dimensions = array<i32: 0>} : vector<32x32xi32>
    %iota3A_106 = tpu.iota {dimensions = array<i32: 1>} : vector<32x32xi32>
    %jit3A_107 = arith.constant 4 : i32
    %div3A_108 = vector.broadcast %jit3A_107 : i32 to vector<32x32xi32>
    %div3A_109 = arith.divsi %iota3A_105, %div3A_108 : vector<32x32xi32>
    %sign3A_110 = arith.constant 0 : i32
    %sign3A_111 = vector.broadcast %sign3A_110 : i32 to vector<32x32xi32>
    %sign3A_112 = arith.cmpi sgt, %iota3A_105, %sign3A_111 : vector<32x32xi32>
    %sign3A_113 = arith.extui %sign3A_112 : vector<32x32xi1> to vector<32x32xi32>
    %sign3A_114 = arith.constant 0 : i32
    %sign3A_115 = vector.broadcast %sign3A_114 : i32 to vector<32x32xi32>
    %sign3A_116 = arith.cmpi slt, %iota3A_105, %sign3A_115 : vector<32x32xi32>
    %sign3A_117 = arith.extui %sign3A_116 : vector<32x32xi1> to vector<32x32xi32>
    %sign3A_118 = arith.subi %sign3A_113, %sign3A_117 : vector<32x32xi32>
    %sign3A_119 = arith.constant 0 : i32
    %sign3A_120 = arith.cmpi sgt, %jit3A_107, %sign3A_119 : i32
    %sign3A_121 = arith.extui %sign3A_120 : i1 to i32
    %sign3A_122 = arith.constant 0 : i32
    %sign3A_123 = arith.cmpi slt, %jit3A_107, %sign3A_122 : i32
    %sign3A_124 = arith.extui %sign3A_123 : i1 to i32
    %sign3A_125 = arith.subi %sign3A_121, %sign3A_124 : i32
    %ne3A_126 = vector.broadcast %sign3A_125 : i32 to vector<32x32xi32>
    %ne3A_127 = arith.cmpi ne, %sign3A_118, %ne3A_126 : vector<32x32xi32>
    %rem3A_128 = vector.broadcast %jit3A_107 : i32 to vector<32x32xi32>
    %rem3A_129 = arith.remsi %iota3A_105, %rem3A_128 : vector<32x32xi32>
    %ne3A_130 = arith.constant 0 : i32
    %ne3A_131 = vector.broadcast %ne3A_130 : i32 to vector<32x32xi32>
    %ne3A_132 = arith.cmpi ne, %rem3A_129, %ne3A_131 : vector<32x32xi32>
    %and3A_133 = arith.andi %ne3A_127, %ne3A_132 : vector<32x32xi1>
    %sub3A_134 = arith.constant 1 : i32
    %sub3A_135 = vector.broadcast %sub3A_134 : i32 to vector<32x32xi32>
    %sub3A_136 = arith.subi %div3A_109, %sub3A_135 : vector<32x32xi32>
    %select_n3A_137 = arith.select %and3A_133, %sub3A_136, %div3A_109 : vector<32x32xi1>, vector<32x32xi32>
    %jit3A_138 = arith.constant 4 : i32
    %div3A_139 = vector.broadcast %jit3A_138 : i32 to vector<32x32xi32>
    %div3A_140 = arith.divsi %iota3A_106, %div3A_139 : vector<32x32xi32>
    %sign3A_141 = arith.constant 0 : i32
    %sign3A_142 = vector.broadcast %sign3A_141 : i32 to vector<32x32xi32>
    %sign3A_143 = arith.cmpi sgt, %iota3A_106, %sign3A_142 : vector<32x32xi32>
    %sign3A_144 = arith.extui %sign3A_143 : vector<32x32xi1> to vector<32x32xi32>
    %sign3A_145 = arith.constant 0 : i32
    %sign3A_146 = vector.broadcast %sign3A_145 : i32 to vector<32x32xi32>
    %sign3A_147 = arith.cmpi slt, %iota3A_106, %sign3A_146 : vector<32x32xi32>
    %sign3A_148 = arith.extui %sign3A_147 : vector<32x32xi1> to vector<32x32xi32>
    %sign3A_149 = arith.subi %sign3A_144, %sign3A_148 : vector<32x32xi32>
    %sign3A_150 = arith.constant 0 : i32
    %sign3A_151 = arith.cmpi sgt, %jit3A_138, %sign3A_150 : i32
    %sign3A_152 = arith.extui %sign3A_151 : i1 to i32
    %sign3A_153 = arith.constant 0 : i32
    %sign3A_154 = arith.cmpi slt, %jit3A_138, %sign3A_153 : i32
    %sign3A_155 = arith.extui %sign3A_154 : i1 to i32
    %sign3A_156 = arith.subi %sign3A_152, %sign3A_155 : i32
    %ne3A_157 = vector.broadcast %sign3A_156 : i32 to vector<32x32xi32>
    %ne3A_158 = arith.cmpi ne, %sign3A_149, %ne3A_157 : vector<32x32xi32>
    %rem3A_159 = vector.broadcast %jit3A_138 : i32 to vector<32x32xi32>
    %rem3A_160 = arith.remsi %iota3A_106, %rem3A_159 : vector<32x32xi32>
    %ne3A_161 = arith.constant 0 : i32
    %ne3A_162 = vector.broadcast %ne3A_161 : i32 to vector<32x32xi32>
    %ne3A_163 = arith.cmpi ne, %rem3A_160, %ne3A_162 : vector<32x32xi32>
    %and3A_164 = arith.andi %ne3A_158, %ne3A_163 : vector<32x32xi1>
    %sub3A_165 = arith.constant 1 : i32
    %sub3A_166 = vector.broadcast %sub3A_165 : i32 to vector<32x32xi32>
    %sub3A_167 = arith.subi %div3A_140, %sub3A_166 : vector<32x32xi32>
    %select_n3A_168 = arith.select %and3A_164, %sub3A_167, %div3A_140 : vector<32x32xi1>, vector<32x32xi32>
    %eq3A_169 = arith.cmpi eq, %select_n3A_137, %select_n3A_168 : vector<32x32xi32>
    %convert_element_type3A_170 = arith.extui %eq3A_169 : vector<32x32xi1> to vector<32x32xi32>
    %convert_element_type3A_171 = arith.sitofp %convert_element_type3A_170 : vector<32x32xi32> to vector<32x32xf32>
    %dot_general3A_172 = arith.constant dense<0.000000e+00> : vector<2048x32xf32>
    %dot_general3A_173 = tpu.matmul %exp3A, %convert_element_type3A_171, %dot_general3A_172 {dimension_numbers = #tpu.dot_dimension_numbers<[1], [0], [0], [1], [0, 0, 1, 1], [], []>, precision = #tpu.contract_precision<fp32>, transpose_lhs_hint = false} : vector<2048x32xf32>, vector<32x32xf32>, vector<2048x32xf32> -> vector<2048x32xf32>
    %mul3A_174 = arith.mulf %convert_element_type3A_104, %exp3A : vector<2048x32xf32>
    %div3A_175 = arith.divf %mul3A_174, %dot_general3A_173 : vector<2048x32xf32>
    %iota3A_176 = tpu.iota {dimensions = array<i32: 0>} : vector<32x256xi32>
    %iota3A_177 = tpu.iota {dimensions = array<i32: 1>} : vector<32x256xi32>
    %jit3A_178 = arith.constant 32 : i32
    %div3A_179 = vector.broadcast %jit3A_178 : i32 to vector<32x256xi32>
    %div3A_180 = arith.divsi %iota3A_177, %div3A_179 : vector<32x256xi32>
    %sign3A_181 = arith.constant 0 : i32
    %sign3A_182 = vector.broadcast %sign3A_181 : i32 to vector<32x256xi32>
    %sign3A_183 = arith.cmpi sgt, %iota3A_177, %sign3A_182 : vector<32x256xi32>
    %sign3A_184 = arith.extui %sign3A_183 : vector<32x256xi1> to vector<32x256xi32>
    %sign3A_185 = arith.constant 0 : i32
    %sign3A_186 = vector.broadcast %sign3A_185 : i32 to vector<32x256xi32>
    %sign3A_187 = arith.cmpi slt, %iota3A_177, %sign3A_186 : vector<32x256xi32>
    %sign3A_188 = arith.extui %sign3A_187 : vector<32x256xi1> to vector<32x256xi32>
    %sign3A_189 = arith.subi %sign3A_184, %sign3A_188 : vector<32x256xi32>
    %sign3A_190 = arith.constant 0 : i32
    %sign3A_191 = arith.cmpi sgt, %jit3A_178, %sign3A_190 : i32
    %sign3A_192 = arith.extui %sign3A_191 : i1 to i32
    %sign3A_193 = arith.constant 0 : i32
    %sign3A_194 = arith.cmpi slt, %jit3A_178, %sign3A_193 : i32
    %sign3A_195 = arith.extui %sign3A_194 : i1 to i32
    %sign3A_196 = arith.subi %sign3A_192, %sign3A_195 : i32
    %ne3A_197 = vector.broadcast %sign3A_196 : i32 to vector<32x256xi32>
    %ne3A_198 = arith.cmpi ne, %sign3A_189, %ne3A_197 : vector<32x256xi32>
    %rem3A_199 = vector.broadcast %jit3A_178 : i32 to vector<32x256xi32>
    %rem3A_200 = arith.remsi %iota3A_177, %rem3A_199 : vector<32x256xi32>
    %ne3A_201 = arith.constant 0 : i32
    %ne3A_202 = vector.broadcast %ne3A_201 : i32 to vector<32x256xi32>
    %ne3A_203 = arith.cmpi ne, %rem3A_200, %ne3A_202 : vector<32x256xi32>
    %and3A_204 = arith.andi %ne3A_198, %ne3A_203 : vector<32x256xi1>
    %sub3A_205 = arith.constant 1 : i32
    %sub3A_206 = vector.broadcast %sub3A_205 : i32 to vector<32x256xi32>
    %sub3A_207 = arith.subi %div3A_180, %sub3A_206 : vector<32x256xi32>
    %select_n3A_208 = arith.select %and3A_204, %sub3A_207, %div3A_180 : vector<32x256xi1>, vector<32x256xi32>
    %jit3A_209 = arith.constant 4 : i32
    %div3A_210 = vector.broadcast %jit3A_209 : i32 to vector<32x256xi32>
    %div3A_211 = arith.divsi %iota3A_176, %div3A_210 : vector<32x256xi32>
    %sign3A_212 = arith.constant 0 : i32
    %sign3A_213 = vector.broadcast %sign3A_212 : i32 to vector<32x256xi32>
    %sign3A_214 = arith.cmpi sgt, %iota3A_176, %sign3A_213 : vector<32x256xi32>
    %sign3A_215 = arith.extui %sign3A_214 : vector<32x256xi1> to vector<32x256xi32>
    %sign3A_216 = arith.constant 0 : i32
    %sign3A_217 = vector.broadcast %sign3A_216 : i32 to vector<32x256xi32>
    %sign3A_218 = arith.cmpi slt, %iota3A_176, %sign3A_217 : vector<32x256xi32>
    %sign3A_219 = arith.extui %sign3A_218 : vector<32x256xi1> to vector<32x256xi32>
    %sign3A_220 = arith.subi %sign3A_215, %sign3A_219 : vector<32x256xi32>
    %sign3A_221 = arith.constant 0 : i32
    %sign3A_222 = arith.cmpi sgt, %jit3A_209, %sign3A_221 : i32
    %sign3A_223 = arith.extui %sign3A_222 : i1 to i32
    %sign3A_224 = arith.constant 0 : i32
    %sign3A_225 = arith.cmpi slt, %jit3A_209, %sign3A_224 : i32
    %sign3A_226 = arith.extui %sign3A_225 : i1 to i32
    %sign3A_227 = arith.subi %sign3A_223, %sign3A_226 : i32
    %ne3A_228 = vector.broadcast %sign3A_227 : i32 to vector<32x256xi32>
    %ne3A_229 = arith.cmpi ne, %sign3A_220, %ne3A_228 : vector<32x256xi32>
    %rem3A_230 = vector.broadcast %jit3A_209 : i32 to vector<32x256xi32>
    %rem3A_231 = arith.remsi %iota3A_176, %rem3A_230 : vector<32x256xi32>
    %ne3A_232 = arith.constant 0 : i32
    %ne3A_233 = vector.broadcast %ne3A_232 : i32 to vector<32x256xi32>
    %ne3A_234 = arith.cmpi ne, %rem3A_231, %ne3A_233 : vector<32x256xi32>
    %and3A_235 = arith.andi %ne3A_229, %ne3A_234 : vector<32x256xi1>
    %sub3A_236 = arith.constant 1 : i32
    %sub3A_237 = vector.broadcast %sub3A_236 : i32 to vector<32x256xi32>
    %sub3A_238 = arith.subi %div3A_211, %sub3A_237 : vector<32x256xi32>
    %select_n3A_239 = arith.select %and3A_235, %sub3A_238, %div3A_211 : vector<32x256xi1>, vector<32x256xi32>
    %eq3A_240 = arith.cmpi eq, %select_n3A_208, %select_n3A_239 : vector<32x256xi32>
    %convert_element_type3A_241 = arith.extui %eq3A_240 : vector<32x256xi1> to vector<32x256xi32>
    %convert_element_type3A_242 = arith.sitofp %convert_element_type3A_241 : vector<32x256xi32> to vector<32x256xf32>
    %dot_general3A_243 = arith.constant dense<0.000000e+00> : vector<2048x256xf32>
    %dot_general3A_244 = tpu.matmul %div3A_175, %convert_element_type3A_242, %dot_general3A_243 {dimension_numbers = #tpu.dot_dimension_numbers<[1], [0], [0], [1], [0, 0, 1, 1], [], []>, precision = #tpu.contract_precision<fp32>, transpose_lhs_hint = false} : vector<2048x32xf32>, vector<32x256xf32>, vector<2048x256xf32> -> vector<2048x256xf32>
    %get3A_245 = arith.constant 0 : index
    %get3A_246 = arith.constant 0 : index
    %get3A_247 = arith.constant 0 : index
    %get3A_248 = vector.load %arg3[%get3A_245, %get3A_246, %get3A_247] : memref<2x2048x128xf32, #tpu.memory_space<vmem>>, vector<1x2048x128xf32>
    %get3A_249 = vector.shape_cast %get3A_248 : vector<1x2048x128xf32> to vector<2048x128xf32>
    %get3A_250 = arith.constant 0 : index
    %get3A_251 = arith.constant 0 : index
    %get3A_252 = vector.load %arg8[%get3A_250, %get3A_251] : memref<128x256xf32, #tpu.memory_space<vmem>>, vector<128x256xf32>
    %dot_general3A_253 = arith.constant dense<0.000000e+00> : vector<2048x256xf32>
    %dot_general3A_254 = tpu.matmul %get3A_249, %get3A_252, %dot_general3A_253 {dimension_numbers = #tpu.dot_dimension_numbers<[1], [0], [0], [1], [0, 0, 1, 1], [], []>, precision = #tpu.contract_precision<fp32>, transpose_lhs_hint = false} : vector<2048x128xf32>, vector<128x256xf32>, vector<2048x256xf32> -> vector<2048x256xf32>
    %get3A_255 = arith.constant 1 : index
    %get3A_256 = arith.constant 0 : index
    %get3A_257 = arith.constant 0 : index
    %get3A_258 = vector.load %arg3[%get3A_255, %get3A_256, %get3A_257] : memref<2x2048x128xf32, #tpu.memory_space<vmem>>, vector<1x2048x128xf32>
    %get3A_259 = vector.shape_cast %get3A_258 : vector<1x2048x128xf32> to vector<2048x128xf32>
    %get3A_260 = arith.constant 0 : index
    %get3A_261 = arith.constant 0 : index
    %get3A_262 = vector.load %arg9[%get3A_260, %get3A_261] : memref<128x256xf32, #tpu.memory_space<vmem>>, vector<128x256xf32>
    %dot_general3A_263 = arith.constant dense<0.000000e+00> : vector<2048x256xf32>
    %dot_general3A_264 = tpu.matmul %get3A_259, %get3A_262, %dot_general3A_263 {dimension_numbers = #tpu.dot_dimension_numbers<[1], [0], [0], [1], [0, 0, 1, 1], [], []>, precision = #tpu.contract_precision<fp32>, transpose_lhs_hint = false} : vector<2048x128xf32>, vector<128x256xf32>, vector<2048x256xf32> -> vector<2048x256xf32>
    %add3A_265 = arith.addf %dot_general3A_254, %dot_general3A_264 : vector<2048x256xf32>
    %get3A_266 = arith.constant 0 : index
    %get3A_267 = arith.constant 0 : index
    %get3A_268 = vector.load %arg10[%get3A_266, %get3A_267] : memref<1x256xf32, #tpu.memory_space<vmem>>, vector<1x256xf32>
    %add3A_269 = vector.broadcast %get3A_268 : vector<1x256xf32> to vector<2048x256xf32>
    %add3A_270 = arith.addf %add3A_265, %add3A_269 : vector<2048x256xf32>
    %mul3A_271 = arith.mulf %add3A_270, %dot_general3A_244 : vector<2048x256xf32>
    %get3A_272 = arith.constant 0 : index
    %get3A_273 = arith.constant 0 : index
    %get3A_274 = vector.load %arg11[%get3A_272, %get3A_273] : memref<256x256xf32, #tpu.memory_space<vmem>>, vector<256x256xf32>
    %dot_general3A_275 = arith.constant dense<0.000000e+00> : vector<2048x256xf32>
    %dot_general3A_276 = tpu.matmul %mul3A_271, %get3A_274, %dot_general3A_275 {dimension_numbers = #tpu.dot_dimension_numbers<[1], [0], [0], [1], [0, 0, 1, 1], [], []>, precision = #tpu.contract_precision<fp32>, transpose_lhs_hint = false} : vector<2048x256xf32>, vector<256x256xf32>, vector<2048x256xf32> -> vector<2048x256xf32>
    %get3A_277 = arith.constant 0 : index
    %get3A_278 = arith.constant 0 : index
    %get3A_279 = vector.load %arg12[%get3A_277, %get3A_278] : memref<1x256xf32, #tpu.memory_space<vmem>>, vector<1x256xf32>
    %add3A_280 = vector.broadcast %get3A_279 : vector<1x256xf32> to vector<2048x256xf32>
    %add3A_281 = arith.addf %dot_general3A_276, %add3A_280 : vector<2048x256xf32>
    %swap3A = arith.constant 0 : index
    %swap3A_282 = arith.constant 0 : index
    %swap3A_283 = vector.load %arg13[%swap3A, %swap3A_282] : memref<2048x256xf32, #tpu.memory_space<vmem>>, vector<2048x256xf32>
    tpu.vector_store %arg13[%swap3A, %swap3A_282], %add3A_281 {strides = array<i32>} : memref<2048x256xf32, #tpu.memory_space<vmem>>, vector<2048x256xf32>,
    return
  }
  func.func @transform_0(%arg0: i32) -> i32 {
    %c0_i32 = arith.constant 0 : i32
    %c0_i32_0 = arith.constant 0 : i32
    return %c0_i32 : i32
  }
  func.func @transform_1(%arg0: i32) -> (i32, i32) {
    %c0_i32 = arith.constant 0 : i32
    %c0_i32_0 = arith.constant 0 : i32
    return %arg0, %c0_i32 : i32, i32
  }
  func.func @transform_2(%arg0: i32) -> (i32, i32, i32) {
    %c0_i32 = arith.constant 0 : i32
    %c0_i32_0 = arith.constant 0 : i32
    %c0_i32_1 = arith.constant 0 : i32
    return %c0_i32, %arg0, %c0_i32_0 : i32, i32, i32
  }
  func.func @transform_3(%arg0: i32) -> (i32, i32) {
    %c0_i32 = arith.constant 0 : i32
    %c0_i32_0 = arith.constant 0 : i32
    %c0_i32_1 = arith.constant 0 : i32
    return %c0_i32, %c0_i32_0 : i32, i32
  }
  func.func @transform_4(%arg0: i32) -> (i32, i32) {
    %c0_i32 = arith.constant 0 : i32
    %c0_i32_0 = arith.constant 0 : i32
    %c0_i32_1 = arith.constant 0 : i32
    return %c0_i32, %c0_i32_0 : i32, i32
  }
  func.func @transform_5(%arg0: i32) -> (i32, i32) {
    %c0_i32 = arith.constant 0 : i32
    %c0_i32_0 = arith.constant 0 : i32
    %c0_i32_1 = arith.constant 0 : i32
    return %c0_i32, %c0_i32_0 : i32, i32
  }
  func.func @transform_6(%arg0: i32) -> (i32, i32) {
    %c0_i32 = arith.constant 0 : i32
    %c0_i32_0 = arith.constant 0 : i32
    %c0_i32_1 = arith.constant 0 : i32
    return %c0_i32, %c0_i32_0 : i32, i32
  }
  func.func @transform_7(%arg0: i32) -> (i32, i32) {
    %c0_i32 = arith.constant 0 : i32
    %c0_i32_0 = arith.constant 0 : i32
    %c0_i32_1 = arith.constant 0 : i32
    return %c0_i32, %c0_i32_0 : i32, i32
  }
  func.func @transform_8(%arg0: i32) -> (i32, i32) {
    %c0_i32 = arith.constant 0 : i32
    %c0_i32_0 = arith.constant 0 : i32
    %c0_i32_1 = arith.constant 0 : i32
    return %c0_i32, %c0_i32_0 : i32, i32
  }
  func.func @transform_9(%arg0: i32) -> (i32, i32) {
    %c0_i32 = arith.constant 0 : i32
    %c0_i32_0 = arith.constant 0 : i32
    %c0_i32_1 = arith.constant 0 : i32
    return %c0_i32, %c0_i32_0 : i32, i32
  }
  func.func @transform_10(%arg0: i32) -> (i32, i32) {
    %c0_i32 = arith.constant 0 : i32
    %c0_i32_0 = arith.constant 0 : i32
    %c0_i32_1 = arith.constant 0 : i32
    return %c0_i32, %c0_i32_0 : i32, i32
  }
  func.func @transform_11(%arg0: i32) -> (i32, i32) {
    %c0_i32 = arith.constant 0 : i32
    %c0_i32_0 = arith.constant 0 : i32
    %c0_i32_1 = arith.constant 0 : i32
    return %c0_i32, %c0_i32_0 : i32, i32
  }
  func.func @transform_12(%arg0: i32) -> (i32, i32) {
    %c0_i32 = arith.constant 0 : i32
    %c0_i32_0 = arith.constant 0 : i32
    return %arg0, %c0_i32 : i32, i32
  }
}

</mosaic_0001>

<sc_bundles>
// kernel: gather_offload_async_start.1
scs
__scs_entry_jumppad:
0x0: {  	(pc) =	sbr.rel $0x88, $3  }
0x1: {  	(tag) =	ssettag $0x0;
	lr =	simm.s32 $0x1  }
0x2: {  	[smem:$0x3F96] =	sst lr;
	_ =	strace $0xD0000000  }
0x3: {  	_ = 	snop  }
0x4: {  	_ = 	snop  }
0x5: {  	_ = 	snop  }
0x6: {  	_ = 	snop  }
0x7: {  	_ = 	snop  }
__scs_overlays_trampoline_lowered:
0x8: {  	[smem:$0x3FA5] =	sst s0  }
0x9: {  	[smem:$0x3FA6] =	sst s1  }
0xa: {  	[smem:$0x3FA7] =	sst s2  }
0xb: {  	[smem:$0x3FA8] =	sst s3  }
0xc: {  	[smem:$0x3FA9] =	sst s4  }
0xd: {  	[smem:$0x3FAA] =	sst s5  }
0xe: {  	[smem:$0x3FAB] =	sst s6  }
0xf: {  	[smem:$0x3FAC] =	sst s7  }
0x10: {  	[smem:$0x3FAD] =	sst s8  }
0x11: {  	[smem:$0x3FAE] =	sst s9;
	s0 =	simm.s32 @!p0 $0x0  }
0x12: {  	s1 =	sld [smem:$0x3F94];
	s0 =	simm.s32 @p0 $0x1  }
0x13: {  	[smem:$0x3FAF] =	sst s0;
	s0 =	simm.s32 @!p1 $0x0  }
0x14: {  	s2 =	sld [smem:$0x3F93];
	s0 =	simm.s32 @p1 $0x1  }
0x15: {  	[smem:$0x3FB0] =	sst s0;
	s0 =	simm.s32 @!p2 $0x0  }
0x16: {  	s3 =	sld [smem:$0x3FDB];
	s0 =	simm.s32 @p2 $0x1  }
0x17: {  	s4 =	simm.s32 $0x1BF5;
	[smem:$0x3FB2] =	sst s0  }
0x18: {  	s0 =	sld [smem:$0x3F95];
	_ =	swait.ge [sflag:s4], $0x0  }
0x19: {  	s7 =	sld [smem:$0x3F96]  }
0x1a: {  	s8 =	sadd.s32 $0xFFFFE003, lr  }
0x1b: {  	s9 =	sadd.s32 $0xFFFFFEF7, lr;
	s5 =	simm.s32 $0xFFFFFFFF;
	p2 =	slt.u32 s8, $0xFFFFF086  }
0x1c: {  	p1 =	slt.u32 s9, $0xF7A;
	s5 =	simm.s32 @!p2 $0x0  }
0x1d: {  	s5 =	simm.s32 @p1 $0x1;
	p0 =	seq.s32 s7, s2  }
0x1e: {  	s7 =	smul.u32 @!p0 $0xF7A, s2;
	p2 =	seq.s32 @!p0 s5, $0x0  }
0x1f: {  	s9 =	smul.u32 $0xF7A, s1;
	s8 =	simm.s32 @!p0 $0x1BF5;
	p2 =	por !p2, p0  }
0x20: {  	[sflag:s8] =	ssyncset.s32 @!p0 $0xFFFFF086;
	s6 =	sadd.s32 @!p0 s3, s7;
	s7 =	simm.s32 @!p0 $0x108  }
0x21: {  	s3 =	sadd.s32 s3, s9;
	s6 =	sadd.s32 @!p0 $0x88, s6;
	s7 =	simm.s32 @p2 $0x1082  }
0x22: {  	[simem:s7], [sflag:s8] =	dma.local @!p0 [hbm:s6], $0xF7A  }
0x23: {  	s9 =	sor.u32 $0xD0000000, s2;
	s6 =	simm.s32 $0x108;
	_ =	swait.ge @!p0 [sflag:s8], $0x0  }
0x24: {  	s3 =	sadd.s32 $0x88, s3;
	s6 =	simm.s32 @!p1 $0x1082;
	[sflag:s4] =	ssyncset.s32 $0xFFFFF086  }
0x25: {  	[simem:s6], [sflag:s4] =	dma.local [hbm:s3], $0xF7A  }
0x26: {  	[smem:$0x3F96] =	sst s1;
	(tag) =	ssettag s2;
	_ =	strace s9  }
0x27: {  	s1 =	sld [smem:$0x3FA6]  }
0x28: {  	s2 =	sld [smem:$0x3FA7]  }
0x29: {  	s4 =	sld [smem:$0x3FA9]  }
0x2a: {  	p0 =	seq.s32 s5, $0x0;
	s5 =	sld [smem:$0x3FAA]  }
0x2b: {  	s6 =	sld [smem:$0x3FAB]  }
0x2c: {  	s7 =	sld [smem:$0x3FAC]  }
0x2d: {  	s3 =	simm.s32 $0x108;
	s8 =	sld [smem:$0x3FAD]  }
0x2e: {  	s3 =	simm.s32 @!p0 $0x1082;
	s9 =	sld [smem:$0x3FAE]  }
0x2f: {  	lr =	sadd.s32 s0, s3;
	s0 =	sld [smem:$0x3FA5]  }
0x30: {  	s3 =	sld [smem:$0x3FA8]  }
0x31: {  	[smem:$0x3FB1] =	sst s10  }
0x32: {  	s10 =	sld [smem:$0x3FAF];
	_ =	sdelay $0x3  }
0x33: {  	p0 =	seq.s32 s10, $0x1;
	s10 =	sld [smem:$0x3FB1];
	_ =	sdelay $0x3  }
0x34: {  	[smem:$0x3FB1] =	sst s10  }
0x35: {  	s10 =	sld [smem:$0x3FB0];
	_ =	sdelay $0x3  }
0x36: {  	p1 =	seq.s32 s10, $0x1;
	s10 =	sld [smem:$0x3FB1];
	_ =	sdelay $0x3  }
0x37: {  	[smem:$0x3FB1] =	sst s10  }
0x38: {  	s10 =	sld [smem:$0x3FB2]  }
0x39: {  	_ = 	snop;
	(pc) =	sbr.ind lr, $3  }
0x3a: {  	_ = 	snop  }
0x3b: {  	_ = 	snop  }
0x3c: {  	p2 =	seq.s32 s10, $0x1;
	s10 =	sld [smem:$0x3FB1]  }
0x3d: {  	_ =	shalt  }
0x3e: {  	_ =	shalt  }
0x3f: {  	_ =	shalt  }
0x40: {  	_ =	shalt  }
0x41: {  	_ =	shalt  }
0x42: {  	_ =	shalt  }
0x43: {  	_ =	shalt  }
0x44: {  	_ =	shalt  }
0x45: {  	_ =	shalt  }
0x46: {  	_ =	shalt  }
0x47: {  	_ =	shalt  }
0x48: {  	_ =	shalt  }
0x49: {  	_ =	shalt  }
0x4a: {  	_ =	shalt  }
0x4b: {  	_ =	shalt  }
0x4c: {  	_ =	shalt  }
0x4d: {  	_ =	shalt  }
0x4e: {  	_ =	shalt  }
0x4f: {  	_ =	shalt  }
0x50: {  	_ =	shalt  }
0x51: {  	_ =	shalt  }
0x52: {  	_ =	shalt  }
0x53: {  	_ =	shalt  }
0x54: {  	_ =	shalt  }
0x55: {  	_ =	shalt  }
0x56: {  	_ =	shalt  }
0x57: {  	_ =	shalt  }
0x58: {  	_ =	shalt  }
0x59: {  	_ =	shalt  }
0x5a: {  	_ =	shalt  }
0x5b: {  	_ =	shalt  }
0x5c: {  	_ =	shalt  }
0x5d: {  	_ =	shalt  }
0x5e: {  	_ =	shalt  }
0x5f: {  	_ =	shalt  }
0x60: {  	_ =	shalt  }
0x61: {  	_ =	shalt  }
0x62: {  	_ =	shalt  }
0x63: {  	_ =	shalt  }
0x64: {  	_ =	shalt  }
0x65: {  	_ =	shalt  }
0x66: {  	_ =	shalt  }
0x67: {  	_ =	shalt  }
0x68: {  	_ =	shalt  }
0x69: {  	_ =	shalt  }
0x6a: {  	_ =	shalt  }
0x6b: {  	_ =	shalt  }
0x6c: {  	_ =	shalt  }
0x6d: {  	_ =	shalt  }
0x6e: {  	_ =	shalt  }
0x6f: {  	_ =	shalt  }
0x70: {  	_ =	shalt  }
0x71: {  	_ =	shalt  }
0x72: {  	_ =	shalt  }
0x73: {  	_ =	shalt  }
0x74: {  	_ =	shalt  }
0x75: {  	_ =	shalt  }
0x76: {  	_ =	shalt  }
0x77: {  	_ =	shalt  }
0x78: {  	_ =	shalt  }
0x79: {  	_ =	shalt  }
0x7a: {  	_ =	shalt  }
0x7b: {  	_ =	shalt  }
0x7c: {  	_ =	shalt  }
0x7d: {  	_ =	shalt  }
0x7e: {  	_ =	shalt  }
0x7f: {  	_ =	shalt  }
0x80: {  	_ =	shalt  }
0x81: {  	_ =	shalt  }
0x82: {  	_ =	shalt  }
0x83: {  	_ =	shalt  }
0x84: {  	_ =	shalt  }
0x85: {  	_ =	shalt  }
0x86: {  	_ =	shalt  }
0x87: {  	_ =	shalt  }
.Lfunc_end0:
.L_simem_size_0:
called_computation.1_lowered:
.L_overlay_start_0:
0x88: {  	s2 =	sld [smem:$0x3FD9]  }
0x89: {  	s3 =	sld [smem:$0x3FFE];
	_ =	sdelay $0x1  }
0x8a: {  	s1 =	srdreg.scid  }
0x8b: {  	s0 =	sand.u32 $0x1, s1  }
0x8c: {  	s17 =	sshll.u32 s0, $0xA;
	s2 =	sadd.s32 s3, s2  }
0x8d: {  	s2 =	sadd.s32 s2, s17  }
0x8e: {  	[smem:$0x3FBD] =	sst s2  }
0x8f: {  	_ = 	snop  }
0x90: {  	s18 =	sld [smem:$0x3FD0];
	(tm) =	ssettm $0x1  }
0x91: {  	s19 =	sld [smem:$0x3FFB];
	_ =	sdelay $0x3  }
0x92: {  	_ =	strace s19  }
0x93: {  	s2 =	sld [smem:$0x3FFC];
	_ =	sdelay $0x3  }
0x94: {  	_ =	strace s2  }
0x95: {  	s2 =	sld [smem:$0x3FFD];
	_ =	sdelay $0x3  }
0x96: {  	_ =	strace s2  }
0x97: {  	_ =	strace $0x8FFFFFFF  }
0x98: {  	s20 =	sld [smem:$0x3FDB];
	_ =	sdelay $0x1  }
0x99: {  	s4 =	simm.s32 $_scs_section_size  }
0x9a: {  	s5 =	simm.s32 $_size__tile_overlayer_lowered;
	s6 =	simm.s32 $_tile_overlayer_lowered  }
0x9b: {  	s7 =	simm.s32 $0x1BFF;
	s21 =	sshll.u32 s6, $0x1;
	s4 =	sadd.s32 s4, s20  }
0x9c: {  	s22 =	simm.s32 $0x0;
	s5 =	sshll.u32 s5, $0x1;
	s6 =	sadd.s32 s21, s4  }
0x9d: {  	[timem:s22], [sflag:s7] =	dma.local [hbm:s6], s5  }
0x9e: {  	_ =	swait.ge [sflag:s7], s5  }
0x9f: {  	s5 =	ssub.s32 $0x0, s5;
	[sflag:s7] =	ssyncset.done $0x0  }
0xa0: {  	[sflag:s7] =	ssyncadd.s32 s5;
	_ =	sdelay $0x1  }
0xa1: {  	s23 =	simm.s32 $0x1B8B  }
0xa2: {  	_ =	swait.ge [sflag:s23], $0x1  }
0xa3: {  	[sflag:s23] =	ssyncset.done $0x0  }
0xa4: {  	[sflag:s23] =	ssyncadd.s32 $0xFFFFFFFF  }
0xa5: {  	s5 =	sld [smem:$0x0]  }
0xa6: {  	s6 =	sand.u32 $0xFFFFFFFE, s1  }
0xa7: {  	p0 =	sne.s32 s1, s6  }
0xa8: {  	s6 =	sshll.u32 @p0 s6, $0xE  }
0xa9: {  	s6 =	sadd.s32 @p0 $0x11B8D, s6;
	s7 =	sshll.u32 @p0 s5, $0x11  }
0xaa: {  	s6 =	sor.u32 @p0 s7, s6  }
0xab: {  	[sflag:s6] =	ssyncadd.remote.s32 @p0 $0x1;
	_ =	sdelay $0x1  }
0xac: {  	s6 =	simm.s32 @p0 $0x1B8D  }
0xad: {  	_ =	swait.eq @p0 [sflag:s6], $0x1  }
0xae: {  	[sflag:s6] =	ssyncadd.s32 @p0 $0xFFFFFFFF  }
0xaf: {  	s7 =	sshll.u32 @!p0 s1, $0xE  }
0xb0: {  	s7 =	sor.u32 @!p0 $0x4000, s7;
	s6 =	simm.s32 @!p0 $0x1B8D  }
0xb1: {  	s5 =	sshll.u32 @!p0 s5, $0x11;
	s7 =	sadd.s32 @!p0 $0x11B8D, s7;
	_ =	swait.eq @!p0 [sflag:s6], $0x1  }
0xb2: {  	s5 =	sor.u32 @!p0 s5, s7;
	[sflag:s6] =	ssyncadd.s32 @!p0 $0xFFFFFFFF  }
0xb3: {  	s25 =	simm.s32 $0x1B8E;
	s24 =	sld [smem:$0x3FFE];
	[sflag:s5] =	ssyncadd.remote.s32 @!p0 $0x1  }
0xb4: {  	s26 =	simm.s32 $execute0_lowered;
	[smem:$0x3FD2] =	sst s25  }
0xb5: {  	s6 =	sshll.u32 s26, $0x1;
	_ =	strace $0x80000049;
	[dreg:$0x1] =	wrdreg $0xFFFFFFFF  }
0xb6: {  	s28 =	simm.s32 $_size_execute0_lowered;
	s4 =	sadd.s32 s4, s6;
	[dreg:$0x0] =	wrdreg $0x0  }
0xb7: {  	s6 =	sshll.u32 s28, $0x1;
	[dreg:$0x2] =	wrdreg s4  }
0xb8: {  	[dreg:$0x3] =	wrdreg s6  }
0xb9: {  	[dreg:$0x4] =	wrdreg $0xC0  }
0xba: {  	_ =	task [dreg:s22], $0x5FFFF  }
0xbb: {  	[dreg:$0x1] =	wrdreg $0xFFFFFFFF  }
0xbc: {  	[dreg:$0x0] =	wrdreg $0x60  }
0xbd: {  	[dreg:$0x2] =	wrdreg s18  }
0xbe: {  	[dreg:$0x3] =	wrdreg s24  }
0xbf: {  	[dreg:$0x4] =	wrdreg $0xA  }
0xc0: {  	_ =	task.clear_ibuf [dreg:s22], $0x5FFFF;
	_ =	strace $0x90000049  }
0xc1: {  	s29 =	simm.s32 $0xA;
	_ =	strace $0x8000004B  }
0xc2: {  	_ =	swait.ge [sflag:s29], $0x1  }
0xc3: {  	[sflag:s29] =	ssyncadd.s32 $0xFFFFFFFF  }
0xc4: {  	_ =	strace $0x9000004B  }
0xc5: {  	_ =	sfence  }
0xc6: {  	s30 =	sld [smem:$0x0];
	_ =	sdelay $0x2  }
0xc7: {  	s31 =	sshll.u32 s1, $0xD;
	s1 =	sshrl.u32 s1, $0x2  }
0xc8: {  	s4 =	sand.u32 $0x4000, s31;
	s1 =	sadd.s32 s1, s30  }
0xc9: {  	s0 =	sor.u32 s4, s0;
	s1 =	sshll.u32 s1, $0x11  }
0xca: {  	s0 =	sor.u32 s1, s0  }
0xcb: {  	s0 =	sadd.s32 $0x8F2B, s0  }
0xcc: {  	[sflag:s0] =	ssyncadd.remote.s32 $0x1  }
0xcd: {  	_ =	sfence.sel $0xFFFF  }
0xce: {  	[dreg:$0x0] =	wrdreg $0xFFFFFFFF;
	(pc) =	sbr.abs _section_cstart, $3  }
0xcf: {  	[dreg:$0x1] =	wrdreg $0xFFFFFFFF  }
0xd0: {  	_ =	task.clear_ibuf [dreg:s22], $0x2FFFF;
	_ =	strace $0x9FFFFFFF  }
0xd1: {  	(tm) =	ssettm $0x7FFFFFFF  }
tec
execute0_lowered:
.L_overlay_start_1:
0x0: {  	(tag) =	ssettag $0x1  }
0x1: {  	s2 =	rddreg [dreg:$0x0]  }
0x2: {  	s7 =	rddreg [dreg:$0x1]  }
0x3: {  	s0 =	rddreg [dreg:$0x2]  }
0x4: {  	s1 =	srdreg.scid;
	_ =	strace $0x8000004A;
	s4 =	simm.s32 $0x1  }
0x5: {  	s9 =	simm.s32 $0x3;
	s11 =	simm.s32 $0x0;
	s5 =	sshll.u32 s1, $0x4  }
.Ltmp0:
0x6: {  	s1 =	stileid.u32;
	s5 =	sand.u32 $0x10, s5;
	(pc) =	sbr.rel .LBB2_1-.Ltmp0, $4  }
0x7: {  	p0 =	por $0x0, $0x0;
	s3 =	sadd.s32 $0x2E00, s7;
	s6 =	sor.u32 s1, s5  }
0x8: {  	[sflag:s4] =	ssyncpa.u1 $0x0;
	s5 =	simm.s32 $0x2;
	s6 =	sshll.u32 s6, $0xA  }
0x9: {  	s7 =	sadd.s32 $0x85E00, s7;
	[sflag:s5] =	ssyncpa.u1 $0x0;
	s8 =	sadd.s32 $0x400, s6  }
0xa: {  	vm0 =	vmmov $0xff;
	vm1 =	vcmask $0x3F20;
	[sflag:s9] =	ssyncpa.u1 $0x0;
	s10 =	smov.u32 s6;
	s9 =	simm.s32 $0x0  }
.LBB2_7:
0xb: {  	p1 =	slt.u32 s9, $0x2;
	s11 =	sadd.s32 $0x100, s10  }
0xc: {  	s13 =	smov.u32 s6;
	s9 =	sadd.s32 $0x1, s9;
	p2 =	slt.s32 s11, s8  }
0xd: {  	s13 =	smov.u32 @p2 s11;
	p2 =	sne.s32 s9, $0x6  }
.Ltmp1:
0xe: {  	_ = 	snop;
	(pc) =	sbr.rel @!p2 .LBB2_8-.Ltmp1, $4  }
0xf: {  	s12 =	simm.s32 @!p1 $0x3  }
0x10: {  	_ =	swait.ge @!p1 [sflag:s12], $0x8000  }
0x11: {  	p0 =	por !p0, !p0;
	[sflag:s12] =	ssyncset.done @!p1 $0x0  }
0x12: {  	s11 =	smov.u32 s10;
	s10 =	smov.u32 s13;
	[sflag:s12] =	ssyncadd.s32 @!p1 $0xFFFF8000  }
.LBB2_1:
0x13: {  	p1 =	sgt.u32 s9, $0x3  }
0x14: {  	s12 =	sxor.u32 @!p1 $0xFFFFFFFF, s9  }
0x15: {  	s13 =	sshrl.u32 @!p1 s10, $0x3;
	s12 =	sshll.u32 @!p1 s12, $0x8  }
0x16: {  	s14 =	sand.u32 @!p1 $0x7, s10;
	s13 =	sadd.s32 @!p1 s3, s13;
	s12 =	sand.u32 @!p1 $0x100, s12  }
0x17: {  	[tilespmem:s12], [sflag:$0x2] =	stream.linear.gather @!p1 [hbm4b:s13+s14], $0x100, $0x38;
	[tilespmem:$0x10200] =	vst v63  }
0x18: {  	p1 =	seq.s32 s9, $0x0  }
0x19: {  	p2 =	seq.s32 @!p1 s9, $0x5  }
0x1a: {  	p1 =	por p1, p2  }
.Ltmp2:
0x1b: {  	_ = 	snop;
	(pc) =	sbr.rel @p1 .LBB2_7-.Ltmp2, $1  }
0x1c: {  	_ =	sdelay $0x3  }
0x1d: {  	s12 =	simm.s32 $0x1  }
0x1e: {  	_ =	swait.ge [sflag:s5], $0x100;
	s12 =	simm.s32 @!p0 $0x0  }
0x1f: {  	[sflag:s5] =	ssyncset.done $0x0;
	s14 =	sshll.u32 s12, $0x8  }
0x20: {  	[sflag:s5] =	ssyncadd.s32 $0xFFFFFF00;
	s13 =	sadd.s32 $0x0, s14  }
0x21: {  	v0 =	vld.msk [tilespmem:s13+$0x0 ss:$0x1], $0xffff;
	_ =	sdelay $0x4  }
0x22: {  	vm2 =	vgt.s32 v0, $0x0  }
0x23: {  	v0 =	vnsel vm2, $0x0, v0  }
0x24: {  	v0 =	vmin.u32 v0, $0xFFFF  }
0x25: {  	v0 =	vshll.u32 v0, $0x4;
	_ =	sdelay $0x2  }
0x26: {  	s12 =	sshll.u32 s12, $0xF  }
0x27: {  	s12 =	sor.u32 $0x200, s12  }
0x28: {  	[tilespmem:s12], [sflag:$0x1] =	stream.indirect_vreg.gather [hbm:s2], $0x80, v0, vm0, $0x38;
	[tilespmem:$0x10200] =	vst v63  }
0x29: {  	s15 =	sadd.s32 $0x10, s14;
	s13 =	sadd.s32 $0x400, s12  }
0x2a: {  	[tilespmem:s13], [sflag:$0x1] =	stream.indirect_vreg.gather [hbm:s2], $0x80, v0, vm1, $0x38;
	[tilespmem:$0x10200] =	vst v63  }
0x2b: {  	s16 =	simm.s32 $0x80;
	v0 =	vld.msk [tilespmem:s15+$0x0 ss:$0x1], $0xffff;
	s15 =	smov.u32 s12  }
.LBB2_3:
0x2c: {  	p1 =	sne.s32 s16, $0x3C0;
	_ =	sdelay $0x4  }
0x2d: {  	vm2 =	vgt.s32 v0, $0x0  }
0x2e: {  	v0 =	vnsel vm2, $0x0, v0  }
0x2f: {  	v0 =	vmin.u32 v0, $0xFFFF  }
0x30: {  	v0 =	vshll.u32 v0, $0x4;
	_ =	sdelay $0x3  }
.Ltmp3:
0x31: {  	s17 =	sshra.s32 s16, $0x2;
	s15 =	sadd.s32 $0x800, s15;
	(pc) =	sbr.rel @p1 .LBB2_3-.Ltmp3, $4  }
0x32: {  	[tilespmem:s15], [sflag:$0x1] =	stream.indirect_vreg.gather [hbm:s2], $0x80, v0, vm0, $0x38;
	[tilespmem:$0x10200] =	vst v63  }
0x33: {  	s17 =	sadd.s32 s17, s14;
	s18 =	sadd.s32 $0x400, s15  }
0x34: {  	[tilespmem:s18], [sflag:$0x1] =	stream.indirect_vreg.gather [hbm:s2], $0x80, v0, vm1, $0x38;
	[tilespmem:$0x10200] =	vst v63  }
0x35: {  	s16 =	sadd.s32 $0x40, s16;
	v0 =	vld.msk [tilespmem:s17+$0x0 ss:$0x1], $0xffff  }
0x36: {  	_ =	sdelay $0x3  }
0x37: {  	vm2 =	vgt.s32 v0, $0x0  }
0x38: {  	v0 =	vnsel vm2, $0x0, v0  }
0x39: {  	v0 =	vmin.u32 v0, $0xFFFF  }
0x3a: {  	v0 =	vshll.u32 v0, $0x4;
	_ =	sdelay $0x3  }
0x3b: {  	s14 =	sadd.s32 $0x800, s15  }
0x3c: {  	[tilespmem:s14], [sflag:$0x1] =	stream.indirect_vreg.gather [hbm:s2], $0x80, v0, vm0, $0x38;
	[tilespmem:$0x10200] =	vst v63  }
0x3d: {  	s14 =	sadd.s32 $0x400, s14  }
0x3e: {  	[tilespmem:s14], [sflag:$0x1] =	stream.indirect_vreg.gather [hbm:s2], $0x80, v0, vm1, $0x38;
	[tilespmem:$0x10200] =	vst v63  }
0x3f: {  	s11 =	sshll.u32 s11, $0x4;
	_ =	swait.ge [sflag:s4], $0x8000  }
0x40: {  	s11 =	sadd.s32 s11, s7;
	[sflag:s4] =	ssyncset.done $0x0  }
0x41: {  	s15 =	sadd.s32 $0x0, s11;
	s14 =	simm.s32 $0x80;
	[sflag:s4] =	ssyncadd.s32 $0xFFFF8000  }
.LBB2_5:
0x42: {  	[hbm:s15] =	stream.linear.scatter [tilespmem:s12], [sflag:$0x3], $0x400, $0x38;
	[tilespmem:$0x10200] =	vst v63  }
0x43: {  	s15 =	smov.u32 s14;
	s12 =	smov.u32 s13;
	p1 =	sne.s32 s14, $0xF80  }
.Ltmp4:
0x44: {  	s14 =	sadd.s32 $0x80, s14;
	(pc) =	sbr.rel @p1 .LBB2_5-.Ltmp4, $2  }
0x45: {  	_ =	sdelay $0x2  }
0x46: {  	s13 =	sadd.s32 $0x400, s13;
	s15 =	sadd.s32 s15, s11  }
.Ltmp5:
0x47: {  	(pc) =	sbr.rel .LBB2_7-.Ltmp5, $2  }
0x48: {  	_ =	sdelay $0x2  }
0x49: {  	[hbm:s15] =	stream.linear.scatter [tilespmem:s12], [sflag:$0x3], $0x400, $0x38;
	[tilespmem:$0x10200] =	vst v63  }
.LBB2_8:
0x4a: {  	_ =	sfence.sel $0x180000  }
0x4b: {  	s2 =	simm.s32 $0x2;
	[bflag:$0x0] =	sbarrier.arrive $0xFFFF  }
0x4c: {  	s30 =	simm.s32 $0x3;
	[sflag:s2] =	ssyncpa.u1 $0x1  }
0x4d: {  	s31 =	simm.s32 $0x1;
	[sflag:s30] =	ssyncpa.u1 $0x1  }
0x4e: {  	[sflag:s31] =	ssyncpa.u1 $0x1  }
0x4f: {  	p0 =	sne.s32 s1, $0x0;
	_ =	strace $0x9000004A  }
0x50: {  	s0 =	sadd.s32 @!p0 $0x100000, s0;
	[bflag:$0x2] =	sbarrier.arrive $0xFFFF  }
0x51: {  	[sflag:s0] =	ssyncadd.tile.s32 @!p0 $0x1;
	_ =	shalt  }
.Lfunc_end2:
_tile_overlayer_lowered:
.L_overlay_start_2:
0x52: {  	(tag) =	ssettag $0x2  }
0x53: {  	s0 =	rddreg [dreg:$0x0];
	s2 =	stileid.u32  }
0x54: {  	s1 =	rddreg [dreg:$0x1];
	p0 =	sne.s32 s2, $0x0  }
0x55: {  	s3 =	rddreg [dreg:$0x2];
	[bflag:$0x3] =	sbarrier.arrive $0xFFFF;
	s2 =	simm.s32 @!p0 $0x1C01  }
0x56: {  	[timem:s3], [sflag:s2] =	dma.local @!p0 [hbm:s0], s1  }
0x57: {  	s0 =	simm.s32 @!p0 $0x1  }
0x58: {  	_ =	swait.ge @!p0 [sflag:s0], s1  }
0x59: {  	s1 =	ssub.s32 @!p0 $0x0, s1;
	[sflag:s0] =	ssyncset.done @!p0 $0x0  }
0x5a: {  	[sflag:s0] =	ssyncadd.s32 @!p0 s1  }
0x5b: {  	[bflag:$0x3] =	sbarrier.arrive $0xFFFF  }
0x5c: {  	_ =	shalt  }

// kernel: gather_offload_async_start
scs
__scs_entry_jumppad:
0x0: {  	(pc) =	sbr.rel $0x88, $3  }
0x1: {  	(tag) =	ssettag $0x0;
	lr =	simm.s32 $0x1  }
0x2: {  	[smem:$0x3F96] =	sst lr;
	_ =	strace $0xD0000000  }
0x3: {  	_ = 	snop  }
0x4: {  	_ = 	snop  }
0x5: {  	_ = 	snop  }
0x6: {  	_ = 	snop  }
0x7: {  	_ = 	snop  }
__scs_overlays_trampoline_lowered:
0x8: {  	[smem:$0x3FA5] =	sst s0  }
0x9: {  	[smem:$0x3FA6] =	sst s1  }
0xa: {  	[smem:$0x3FA7] =	sst s2  }
0xb: {  	[smem:$0x3FA8] =	sst s3  }
0xc: {  	[smem:$0x3FA9] =	sst s4  }
0xd: {  	[smem:$0x3FAA] =	sst s5  }
0xe: {  	[smem:$0x3FAB] =	sst s6  }
0xf: {  	[smem:$0x3FAC] =	sst s7  }
0x10: {  	[smem:$0x3FAD] =	sst s8  }
0x11: {  	[smem:$0x3FAE] =	sst s9;
	s0 =	simm.s32 @!p0 $0x0  }
0x12: {  	s1 =	sld [smem:$0x3F94];
	s0 =	simm.s32 @p0 $0x1  }
0x13: {  	[smem:$0x3FAF] =	sst s0;
	s0 =	simm.s32 @!p1 $0x0  }
0x14: {  	s2 =	sld [smem:$0x3F93];
	s0 =	simm.s32 @p1 $0x1  }
0x15: {  	[smem:$0x3FB0] =	sst s0;
	s0 =	simm.s32 @!p2 $0x0  }
0x16: {  	s3 =	sld [smem:$0x3FDB];
	s0 =	simm.s32 @p2 $0x1  }
0x17: {  	s4 =	simm.s32 $0x1BF5;
	[smem:$0x3FB2] =	sst s0  }
0x18: {  	s0 =	sld [smem:$0x3F95];
	_ =	swait.ge [sflag:s4], $0x0  }
0x19: {  	s7 =	sld [smem:$0x3F96]  }
0x1a: {  	s8 =	sadd.s32 $0xFFFFE003, lr  }
0x1b: {  	s9 =	sadd.s32 $0xFFFFFEF7, lr;
	s5 =	simm.s32 $0xFFFFFFFF;
	p2 =	slt.u32 s8, $0xFFFFF086  }
0x1c: {  	p1 =	slt.u32 s9, $0xF7A;
	s5 =	simm.s32 @!p2 $0x0  }
0x1d: {  	s5 =	simm.s32 @p1 $0x1;
	p0 =	seq.s32 s7, s2  }
0x1e: {  	s7 =	smul.u32 @!p0 $0xF7A, s2;
	p2 =	seq.s32 @!p0 s5, $0x0  }
0x1f: {  	s9 =	smul.u32 $0xF7A, s1;
	s8 =	simm.s32 @!p0 $0x1BF5;
	p2 =	por !p2, p0  }
0x20: {  	[sflag:s8] =	ssyncset.s32 @!p0 $0xFFFFF086;
	s6 =	sadd.s32 @!p0 s3, s7;
	s7 =	simm.s32 @!p0 $0x108  }
0x21: {  	s3 =	sadd.s32 s3, s9;
	s6 =	sadd.s32 @!p0 $0x88, s6;
	s7 =	simm.s32 @p2 $0x1082  }
0x22: {  	[simem:s7], [sflag:s8] =	dma.local @!p0 [hbm:s6], $0xF7A  }
0x23: {  	s9 =	sor.u32 $0xD0000000, s2;
	s6 =	simm.s32 $0x108;
	_ =	swait.ge @!p0 [sflag:s8], $0x0  }
0x24: {  	s3 =	sadd.s32 $0x88, s3;
	s6 =	simm.s32 @!p1 $0x1082;
	[sflag:s4] =	ssyncset.s32 $0xFFFFF086  }
0x25: {  	[simem:s6], [sflag:s4] =	dma.local [hbm:s3], $0xF7A  }
0x26: {  	[smem:$0x3F96] =	sst s1;
	(tag) =	ssettag s2;
	_ =	strace s9  }
0x27: {  	s1 =	sld [smem:$0x3FA6]  }
0x28: {  	s2 =	sld [smem:$0x3FA7]  }
0x29: {  	s4 =	sld [smem:$0x3FA9]  }
0x2a: {  	p0 =	seq.s32 s5, $0x0;
	s5 =	sld [smem:$0x3FAA]  }
0x2b: {  	s6 =	sld [smem:$0x3FAB]  }
0x2c: {  	s7 =	sld [smem:$0x3FAC]  }
0x2d: {  	s3 =	simm.s32 $0x108;
	s8 =	sld [smem:$0x3FAD]  }
0x2e: {  	s3 =	simm.s32 @!p0 $0x1082;
	s9 =	sld [smem:$0x3FAE]  }
0x2f: {  	lr =	sadd.s32 s0, s3;
	s0 =	sld [smem:$0x3FA5]  }
0x30: {  	s3 =	sld [smem:$0x3FA8]  }
0x31: {  	[smem:$0x3FB1] =	sst s10  }
0x32: {  	s10 =	sld [smem:$0x3FAF];
	_ =	sdelay $0x3  }
0x33: {  	p0 =	seq.s32 s10, $0x1;
	s10 =	sld [smem:$0x3FB1];
	_ =	sdelay $0x3  }
0x34: {  	[smem:$0x3FB1] =	sst s10  }
0x35: {  	s10 =	sld [smem:$0x3FB0];
	_ =	sdelay $0x3  }
0x36: {  	p1 =	seq.s32 s10, $0x1;
	s10 =	sld [smem:$0x3FB1];
	_ =	sdelay $0x3  }
0x37: {  	[smem:$0x3FB1] =	sst s10  }
0x38: {  	s10 =	sld [smem:$0x3FB2]  }
0x39: {  	_ = 	snop;
	(pc) =	sbr.ind lr, $3  }
0x3a: {  	_ = 	snop  }
0x3b: {  	_ = 	snop  }
0x3c: {  	p2 =	seq.s32 s10, $0x1;
	s10 =	sld [smem:$0x3FB1]  }
0x3d: {  	_ =	shalt  }
0x3e: {  	_ =	shalt  }
0x3f: {  	_ =	shalt  }
0x40: {  	_ =	shalt  }
0x41: {  	_ =	shalt  }
0x42: {  	_ =	shalt  }
0x43: {  	_ =	shalt  }
0x44: {  	_ =	shalt  }
0x45: {  	_ =	shalt  }
0x46: {  	_ =	shalt  }
0x47: {  	_ =	shalt  }
0x48: {  	_ =	shalt  }
0x49: {  	_ =	shalt  }
0x4a: {  	_ =	shalt  }
0x4b: {  	_ =	shalt  }
0x4c: {  	_ =	shalt  }
0x4d: {  	_ =	shalt  }
0x4e: {  	_ =	shalt  }
0x4f: {  	_ =	shalt  }
0x50: {  	_ =	shalt  }
0x51: {  	_ =	shalt  }
0x52: {  	_ =	shalt  }
0x53: {  	_ =	shalt  }
0x54: {  	_ =	shalt  }
0x55: {  	_ =	shalt  }
0x56: {  	_ =	shalt  }
0x57: {  	_ =	shalt  }
0x58: {  	_ =	shalt  }
0x59: {  	_ =	shalt  }
0x5a: {  	_ =	shalt  }
0x5b: {  	_ =	shalt  }
0x5c: {  	_ =	shalt  }
0x5d: {  	_ =	shalt  }
0x5e: {  	_ =	shalt  }
0x5f: {  	_ =	shalt  }
0x60: {  	_ =	shalt  }
0x61: {  	_ =	shalt  }
0x62: {  	_ =	shalt  }
0x63: {  	_ =	shalt  }
0x64: {  	_ =	shalt  }
0x65: {  	_ =	shalt  }
0x66: {  	_ =	shalt  }
0x67: {  	_ =	shalt  }
0x68: {  	_ =	shalt  }
0x69: {  	_ =	shalt  }
0x6a: {  	_ =	shalt  }
0x6b: {  	_ =	shalt  }
0x6c: {  	_ =	shalt  }
0x6d: {  	_ =	shalt  }
0x6e: {  	_ =	shalt  }
0x6f: {  	_ =	shalt  }
0x70: {  	_ =	shalt  }
0x71: {  	_ =	shalt  }
0x72: {  	_ =	shalt  }
0x73: {  	_ =	shalt  }
0x74: {  	_ =	shalt  }
0x75: {  	_ =	shalt  }
0x76: {  	_ =	shalt  }
0x77: {  	_ =	shalt  }
0x78: {  	_ =	shalt  }
0x79: {  	_ =	shalt  }
0x7a: {  	_ =	shalt  }
0x7b: {  	_ =	shalt  }
0x7c: {  	_ =	shalt  }
0x7d: {  	_ =	shalt  }
0x7e: {  	_ =	shalt  }
0x7f: {  	_ =	shalt  }
0x80: {  	_ =	shalt  }
0x81: {  	_ =	shalt  }
0x82: {  	_ =	shalt  }
0x83: {  	_ =	shalt  }
0x84: {  	_ =	shalt  }
0x85: {  	_ =	shalt  }
0x86: {  	_ =	shalt  }
0x87: {  	_ =	shalt  }
.Lfunc_end0:
.L_simem_size_0:
called_computation_lowered:
.L_overlay_start_0:
0x88: {  	s2 =	sld [smem:$0x3FD9]  }
0x89: {  	s3 =	sld [smem:$0x3FFE];
	_ =	sdelay $0x1  }
0x8a: {  	s1 =	srdreg.scid  }
0x8b: {  	s0 =	sand.u32 $0x1, s1  }
0x8c: {  	s17 =	sshll.u32 s0, $0xA;
	s2 =	sadd.s32 s3, s2  }
0x8d: {  	s2 =	sadd.s32 s2, s17  }
0x8e: {  	[smem:$0x3FBD] =	sst s2  }
0x8f: {  	_ = 	snop  }
0x90: {  	s2 =	sld [smem:$0x3FD0];
	(tm) =	ssettm $0x1  }
0x91: {  	s18 =	sld [smem:$0x3FFB];
	_ =	sdelay $0x3  }
0x92: {  	_ =	strace s18  }
0x93: {  	s3 =	sld [smem:$0x3FFC];
	_ =	sdelay $0x3  }
0x94: {  	_ =	strace s3  }
0x95: {  	s3 =	sld [smem:$0x3FFD];
	_ =	sdelay $0x3  }
0x96: {  	_ =	strace s3  }
0x97: {  	_ =	strace $0x8FFFFFFF  }
0x98: {  	s19 =	sld [smem:$0x3FDB];
	_ =	sdelay $0x1  }
0x99: {  	s4 =	simm.s32 $_scs_section_size  }
0x9a: {  	s5 =	simm.s32 $_size__tile_overlayer_lowered;
	s6 =	simm.s32 $_tile_overlayer_lowered  }
0x9b: {  	s22 =	simm.s32 $0x1BFF;
	s21 =	sshll.u32 s6, $0x1;
	s3 =	sadd.s32 s4, s19  }
0x9c: {  	s7 =	simm.s32 $0x0;
	s20 =	sshll.u32 s5, $0x1;
	s5 =	sadd.s32 s21, s3  }
0x9d: {  	[timem:s7], [sflag:s22] =	dma.local [hbm:s5], s20  }
0x9e: {  	_ =	swait.ge [sflag:s22], s20  }
0x9f: {  	s4 =	ssub.s32 $0x0, s20;
	[sflag:s22] =	ssyncset.done $0x0  }
0xa0: {  	[sflag:s22] =	ssyncadd.s32 s4;
	_ =	sdelay $0x1  }
0xa1: {  	s23 =	simm.s32 $0x1B8B  }
0xa2: {  	_ =	swait.ge [sflag:s23], $0x1  }
0xa3: {  	[sflag:s23] =	ssyncset.done $0x0  }
0xa4: {  	s25 =	simm.s32 $0x1B8E;
	s24 =	sld [smem:$0x3FFE];
	[sflag:s23] =	ssyncadd.s32 $0xFFFFFFFF  }
0xa5: {  	s26 =	simm.s32 $execute0_lowered;
	[smem:$0x3FD2] =	sst s25  }
0xa6: {  	s5 =	sshll.u32 s26, $0x1;
	_ =	strace $0x80000046;
	[dreg:$0x1] =	wrdreg $0xFFFFFFFF  }
0xa7: {  	s28 =	simm.s32 $_size_execute0_lowered;
	s3 =	sadd.s32 s3, s5;
	[dreg:$0x0] =	wrdreg $0x0  }
0xa8: {  	s5 =	sshll.u32 s28, $0x1;
	[dreg:$0x2] =	wrdreg s3  }
0xa9: {  	[dreg:$0x3] =	wrdreg s5  }
0xaa: {  	[dreg:$0x4] =	wrdreg $0xC0  }
0xab: {  	_ =	task [dreg:s7], $0x5FFFF  }
0xac: {  	[dreg:$0x1] =	wrdreg $0xFFFFFFFF  }
0xad: {  	[dreg:$0x0] =	wrdreg $0x60  }
0xae: {  	[dreg:$0x2] =	wrdreg s2  }
0xaf: {  	[dreg:$0x3] =	wrdreg s24  }
0xb0: {  	[dreg:$0x4] =	wrdreg $0x9  }
0xb1: {  	_ =	task.clear_ibuf [dreg:s7], $0x5FFFF;
	_ =	strace $0x90000046  }
0xb2: {  	s29 =	simm.s32 $0x9;
	_ =	strace $0x80000048  }
0xb3: {  	_ =	swait.ge [sflag:s29], $0x1  }
0xb4: {  	[sflag:s29] =	ssyncadd.s32 $0xFFFFFFFF  }
0xb5: {  	_ =	strace $0x90000048  }
0xb6: {  	_ =	sfence  }
0xb7: {  	s30 =	sld [smem:$0x0];
	_ =	sdelay $0x2  }
0xb8: {  	s31 =	sshll.u32 s1, $0xD;
	s1 =	sshrl.u32 s1, $0x2  }
0xb9: {  	s3 =	sand.u32 $0x4000, s31;
	s1 =	sadd.s32 s1, s30  }
0xba: {  	s0 =	sor.u32 s3, s0;
	s1 =	sshll.u32 s1, $0x11  }
0xbb: {  	s0 =	sor.u32 s1, s0  }
0xbc: {  	s0 =	sadd.s32 $0x8F2B, s0  }
0xbd: {  	[sflag:s0] =	ssyncadd.remote.s32 $0x1  }
0xbe: {  	_ =	sfence.sel $0xFFFF  }
0xbf: {  	[dreg:$0x0] =	wrdreg $0xFFFFFFFF;
	(pc) =	sbr.abs _section_cstart, $3  }
0xc0: {  	[dreg:$0x1] =	wrdreg $0xFFFFFFFF  }
0xc1: {  	_ =	task.clear_ibuf [dreg:s7], $0x2FFFF;
	_ =	strace $0x9FFFFFFF  }
0xc2: {  	(tm) =	ssettm $0x7FFFFFFF  }
0xc3: {  	_ =	shalt  }
tec
execute0_lowered:
.L_overlay_start_1:
0x0: {  	(tag) =	ssettag $0x1  }
0x1: {  	s2 =	rddreg [dreg:$0x0]  }
0x2: {  	s7 =	rddreg [dreg:$0x1]  }
0x3: {  	s0 =	rddreg [dreg:$0x2]  }
0x4: {  	s1 =	srdreg.scid;
	_ =	strace $0x80000047;
	s4 =	simm.s32 $0x1  }
0x5: {  	s9 =	simm.s32 $0x3;
	s11 =	simm.s32 $0x0;
	s5 =	sshll.u32 s1, $0x4  }
.Ltmp0:
0x6: {  	s1 =	stileid.u32;
	s5 =	sand.u32 $0x10, s5;
	(pc) =	sbr.rel .LBB2_1-.Ltmp0, $4  }
0x7: {  	p0 =	por $0x0, $0x0;
	s3 =	sadd.s32 $0x4E00, s7;
	s6 =	sor.u32 s1, s5  }
0x8: {  	[sflag:s4] =	ssyncpa.u1 $0x0;
	s5 =	simm.s32 $0x2;
	s6 =	sshll.u32 s6, $0xA  }
0x9: {  	s7 =	sadd.s32 $0x5E00, s7;
	[sflag:s5] =	ssyncpa.u1 $0x0;
	s8 =	sadd.s32 $0x400, s6  }
0xa: {  	vm0 =	vmmov $0xff;
	vm1 =	vcmask $0x3F20;
	[sflag:s9] =	ssyncpa.u1 $0x0;
	s10 =	smov.u32 s6;
	s9 =	simm.s32 $0x0  }
.LBB2_7:
0xb: {  	p1 =	slt.u32 s9, $0x2;
	s11 =	sadd.s32 $0x100, s10  }
0xc: {  	s13 =	smov.u32 s6;
	s9 =	sadd.s32 $0x1, s9;
	p2 =	slt.s32 s11, s8  }
0xd: {  	s13 =	smov.u32 @p2 s11;
	p2 =	sne.s32 s9, $0x6  }
.Ltmp1:
0xe: {  	_ = 	snop;
	(pc) =	sbr.rel @!p2 .LBB2_8-.Ltmp1, $4  }
0xf: {  	s12 =	simm.s32 @!p1 $0x3  }
0x10: {  	_ =	swait.ge @!p1 [sflag:s12], $0x8000  }
0x11: {  	p0 =	por !p0, !p0;
	[sflag:s12] =	ssyncset.done @!p1 $0x0  }
0x12: {  	s11 =	smov.u32 s10;
	s10 =	smov.u32 s13;
	[sflag:s12] =	ssyncadd.s32 @!p1 $0xFFFF8000  }
.LBB2_1:
0x13: {  	p1 =	sgt.u32 s9, $0x3  }
0x14: {  	s12 =	sxor.u32 @!p1 $0xFFFFFFFF, s9  }
0x15: {  	s13 =	sshrl.u32 @!p1 s10, $0x3;
	s12 =	sshll.u32 @!p1 s12, $0x8  }
0x16: {  	s14 =	sand.u32 @!p1 $0x7, s10;
	s13 =	sadd.s32 @!p1 s3, s13;
	s12 =	sand.u32 @!p1 $0x100, s12  }
0x17: {  	[tilespmem:s12], [sflag:$0x2] =	stream.linear.gather @!p1 [hbm4b:s13+s14], $0x100, $0x38;
	[tilespmem:$0x10200] =	vst v63  }
0x18: {  	p1 =	seq.s32 s9, $0x0  }
0x19: {  	p2 =	seq.s32 @!p1 s9, $0x5  }
0x1a: {  	p1 =	por p1, p2  }
.Ltmp2:
0x1b: {  	_ = 	snop;
	(pc) =	sbr.rel @p1 .LBB2_7-.Ltmp2, $1  }
0x1c: {  	_ =	sdelay $0x3  }
0x1d: {  	s12 =	simm.s32 $0x1  }
0x1e: {  	_ =	swait.ge [sflag:s5], $0x100;
	s12 =	simm.s32 @!p0 $0x0  }
0x1f: {  	[sflag:s5] =	ssyncset.done $0x0;
	s14 =	sshll.u32 s12, $0x8  }
0x20: {  	[sflag:s5] =	ssyncadd.s32 $0xFFFFFF00;
	s13 =	sadd.s32 $0x0, s14  }
0x21: {  	v0 =	vld.msk [tilespmem:s13+$0x0 ss:$0x1], $0xffff;
	_ =	sdelay $0x4  }
0x22: {  	vm2 =	vgt.s32 v0, $0x0  }
0x23: {  	v0 =	vnsel vm2, $0x0, v0  }
0x24: {  	v0 =	vmin.u32 v0, $0xFFFF  }
0x25: {  	v0 =	vshll.u32 v0, $0x4;
	_ =	sdelay $0x2  }
0x26: {  	s12 =	sshll.u32 s12, $0xF  }
0x27: {  	s12 =	sor.u32 $0x200, s12  }
0x28: {  	[tilespmem:s12], [sflag:$0x1] =	stream.indirect_vreg.gather [hbm:s2], $0x80, v0, vm0, $0x38;
	[tilespmem:$0x10200] =	vst v63  }
0x29: {  	s15 =	sadd.s32 $0x10, s14;
	s13 =	sadd.s32 $0x400, s12  }
0x2a: {  	[tilespmem:s13], [sflag:$0x1] =	stream.indirect_vreg.gather [hbm:s2], $0x80, v0, vm1, $0x38;
	[tilespmem:$0x10200] =	vst v63  }
0x2b: {  	s16 =	simm.s32 $0x80;
	v0 =	vld.msk [tilespmem:s15+$0x0 ss:$0x1], $0xffff;
	s15 =	smov.u32 s12  }
.LBB2_3:
0x2c: {  	p1 =	sne.s32 s16, $0x3C0;
	_ =	sdelay $0x4  }
0x2d: {  	vm2 =	vgt.s32 v0, $0x0  }
0x2e: {  	v0 =	vnsel vm2, $0x0, v0  }
0x2f: {  	v0 =	vmin.u32 v0, $0xFFFF  }
0x30: {  	v0 =	vshll.u32 v0, $0x4;
	_ =	sdelay $0x3  }
.Ltmp3:
0x31: {  	s17 =	sshra.s32 s16, $0x2;
	s15 =	sadd.s32 $0x800, s15;
	(pc) =	sbr.rel @p1 .LBB2_3-.Ltmp3, $4  }
0x32: {  	[tilespmem:s15], [sflag:$0x1] =	stream.indirect_vreg.gather [hbm:s2], $0x80, v0, vm0, $0x38;
	[tilespmem:$0x10200] =	vst v63  }
0x33: {  	s17 =	sadd.s32 s17, s14;
	s18 =	sadd.s32 $0x400, s15  }
0x34: {  	[tilespmem:s18], [sflag:$0x1] =	stream.indirect_vreg.gather [hbm:s2], $0x80, v0, vm1, $0x38;
	[tilespmem:$0x10200] =	vst v63  }
0x35: {  	s16 =	sadd.s32 $0x40, s16;
	v0 =	vld.msk [tilespmem:s17+$0x0 ss:$0x1], $0xffff  }
0x36: {  	_ =	sdelay $0x3  }
0x37: {  	vm2 =	vgt.s32 v0, $0x0  }
0x38: {  	v0 =	vnsel vm2, $0x0, v0  }
0x39: {  	v0 =	vmin.u32 v0, $0xFFFF  }
0x3a: {  	v0 =	vshll.u32 v0, $0x4;
	_ =	sdelay $0x3  }
0x3b: {  	s14 =	sadd.s32 $0x800, s15  }
0x3c: {  	[tilespmem:s14], [sflag:$0x1] =	stream.indirect_vreg.gather [hbm:s2], $0x80, v0, vm0, $0x38;
	[tilespmem:$0x10200] =	vst v63  }
0x3d: {  	s14 =	sadd.s32 $0x400, s14  }
0x3e: {  	[tilespmem:s14], [sflag:$0x1] =	stream.indirect_vreg.gather [hbm:s2], $0x80, v0, vm1, $0x38;
	[tilespmem:$0x10200] =	vst v63  }
0x3f: {  	s11 =	sshll.u32 s11, $0x4;
	_ =	swait.ge [sflag:s4], $0x8000  }
0x40: {  	s11 =	sadd.s32 s11, s7;
	[sflag:s4] =	ssyncset.done $0x0  }
0x41: {  	s15 =	sadd.s32 $0x0, s11;
	s14 =	simm.s32 $0x80;
	[sflag:s4] =	ssyncadd.s32 $0xFFFF8000  }
.LBB2_5:
0x42: {  	[hbm:s15] =	stream.linear.scatter [tilespmem:s12], [sflag:$0x3], $0x400, $0x38;
	[tilespmem:$0x10200] =	vst v63  }
0x43: {  	s15 =	smov.u32 s14;
	s12 =	smov.u32 s13;
	p1 =	sne.s32 s14, $0xF80  }
.Ltmp4:
0x44: {  	s14 =	sadd.s32 $0x80, s14;
	(pc) =	sbr.rel @p1 .LBB2_5-.Ltmp4, $2  }
0x45: {  	_ =	sdelay $0x2  }
0x46: {  	s13 =	sadd.s32 $0x400, s13;
	s15 =	sadd.s32 s15, s11  }
.Ltmp5:
0x47: {  	(pc) =	sbr.rel .LBB2_7-.Ltmp5, $2  }
0x48: {  	_ =	sdelay $0x2  }
0x49: {  	[hbm:s15] =	stream.linear.scatter [tilespmem:s12], [sflag:$0x3], $0x400, $0x38;
	[tilespmem:$0x10200] =	vst v63  }
.LBB2_8:
0x4a: {  	_ =	sfence.sel $0x180000  }
0x4b: {  	s2 =	simm.s32 $0x2;
	[bflag:$0x0] =	sbarrier.arrive $0xFFFF  }
0x4c: {  	s30 =	simm.s32 $0x3;
	[sflag:s2] =	ssyncpa.u1 $0x1  }
0x4d: {  	s31 =	simm.s32 $0x1;
	[sflag:s30] =	ssyncpa.u1 $0x1  }
0x4e: {  	[sflag:s31] =	ssyncpa.u1 $0x1  }
0x4f: {  	p0 =	sne.s32 s1, $0x0;
	_ =	strace $0x90000047  }
0x50: {  	s0 =	sadd.s32 @!p0 $0x100000, s0;
	[bflag:$0x2] =	sbarrier.arrive $0xFFFF  }
0x51: {  	[sflag:s0] =	ssyncadd.tile.s32 @!p0 $0x1;
	_ =	shalt  }
.Lfunc_end2:
_tile_overlayer_lowered:
.L_overlay_start_2:
0x52: {  	(tag) =	ssettag $0x2  }
0x53: {  	s0 =	rddreg [dreg:$0x0];
	s2 =	stileid.u32  }
0x54: {  	s1 =	rddreg [dreg:$0x1];
	p0 =	sne.s32 s2, $0x0  }
0x55: {  	s3 =	rddreg [dreg:$0x2];
	[bflag:$0x3] =	sbarrier.arrive $0xFFFF;
	s2 =	simm.s32 @!p0 $0x1C01  }
0x56: {  	[timem:s3], [sflag:s2] =	dma.local @!p0 [hbm:s0], s1  }
0x57: {  	s0 =	simm.s32 @!p0 $0x1  }
0x58: {  	_ =	swait.ge @!p0 [sflag:s0], s1  }
0x59: {  	s1 =	ssub.s32 @!p0 $0x0, s1;
	[sflag:s0] =	ssyncset.done @!p0 $0x0  }
0x5a: {  	[sflag:s0] =	ssyncadd.s32 @!p0 s1  }
0x5b: {  	[bflag:$0x3] =	sbarrier.arrive $0xFFFF  }
0x5c: {  	_ =	shalt  }

</sc_bundles>
